<compile_context>
chip_gen: v7x
topology: tpu7x:2x2x1
jax: 0.10.2.dev20260603
libtpu: 0.0.44.dev20260713+nightly
codegen_flags: <defaults>
</compile_context>

<pallas_src>
import functools

import jax
import jax.numpy as jnp
from jax import lax
from jax.experimental import pallas as pl
from jax.experimental.pallas import tpu as pltpu
from jax.experimental.pallas import tpu_sc as plsc

EMBED = 64
NUM_CORES = 2
NUM_SUBCORES = 16
NW = NUM_CORES * NUM_SUBCORES
CB = 256
CP = CB + 1


def _emb_kernel(batch, hist, table_hbm, idx_hbm, out_hbm,
                idx_v, rows0, rows1, col0, col1, sl, sg0, sg1, ss0, ss1):
    b_blk = batch // NW
    halves = b_blk // CB
    n_chunks = hist * halves
    n_pairs = n_chunks // 2
    wid = lax.axis_index("s") * NUM_CORES + lax.axis_index("c")
    b0 = pl.multiple_of(wid * b_blk, 8)

    pltpu.async_copy(idx_hbm.at[:, pl.ds(b0, b_blk)], idx_v, sl).wait()

    def g_copy(c, rows, sem):
        h = c // halves
        off = pl.multiple_of((c % halves) * CB, 8)
        return pltpu.make_async_copy(
            table_hbm.at[idx_v.at[h, pl.ds(off, CB)]], rows, sem)

    def s_copies(c, col, sem):
        h = c // halves
        off = (c % halves) * CB
        bt_abs = (b0 + off) // 128
        return [
            pltpu.make_async_copy(
                col.at[btp, :, :, pl.ds(0, 128)],
                out_hbm.at[h, :, bt_abs + btp, :, :], sem)
            for btp in range(CB // 128)
        ]

    def s_start(c, col, sem):
        for cp in s_copies(c, col, sem):
            cp.start()

    def s_wait(c, col, sem):
        for cp in s_copies(c, col, sem):
            cp.wait()

    lane = lax.iota(jnp.int32, 16)
    ei_v = lax.rem(lane, 8)
    et_vs = [lane // 8 + 2 * k for k in range(EMBED // 16)]

    def transpose(rows, col):
        @plsc.parallel_loop(0, CB, step=1, unroll=2)
        def _(j):
            bt_v = jnp.full((16,), j // 128, dtype=jnp.int32)
            bi_v = jnp.full((16,), j % 128, dtype=jnp.int32)
            for k in range(EMBED // 16):
                v = rows[j, pl.ds(16 * k, 16)]
                plsc.store_scatter(col, [bt_v, et_vs[k], ei_v, bi_v], v)

    g_copy(0, rows0, sg0).start()

    def pair(p, _):
        c0 = p * 2
        c1 = c0 + 1
        g_copy(c1, rows1, sg1).start()
        g_copy(c0, rows0, sg0).wait()

        @pl.when(p > 0)
        def _():
            s_wait(c0, col0, ss0)
        transpose(rows0, col0)
        s_start(c0, col0, ss0)

        @pl.when(p + 1 < n_pairs)
        def _():
            g_copy(c0 + 2, rows0, sg0).start()

        g_copy(c1, rows1, sg1).wait()

        @pl.when(p > 0)
        def _():
            s_wait(c1, col1, ss1)
        transpose(rows1, col1)
        s_start(c1, col1, ss1)
        return ()

    lax.fori_loop(0, n_pairs, pair, (), unroll=False)
    s_wait(n_chunks - 2, col0, ss0)
    s_wait(n_chunks - 1, col1, ss1)


def kernel(indices, table):
    batch, hist = indices.shape
    idx_t = indices.T.astype(jnp.int32)

    mesh = plsc.VectorSubcoreMesh(
        core_axis_name="c", subcore_axis_name="s",
        num_cores=NUM_CORES, num_subcores=NUM_SUBCORES,
    )
    k = pl.kernel(
        functools.partial(_emb_kernel, batch, hist),
        out_type=jax.ShapeDtypeStruct(
            (hist, EMBED // 8, batch // 128, 8, 128), jnp.float32),
        mesh=mesh,
        scratch_types=[
            pltpu.VMEM((hist, batch // NW), jnp.int32),
            pltpu.VMEM((CB, EMBED), jnp.float32),
            pltpu.VMEM((CB, EMBED), jnp.float32),
            pltpu.VMEM((CB // 128, EMBED // 8, 8, 129), jnp.float32),
            pltpu.VMEM((CB // 128, EMBED // 8, 8, 129), jnp.float32),
            pltpu.SemaphoreType.DMA,
            pltpu.SemaphoreType.DMA,
            pltpu.SemaphoreType.DMA,
            pltpu.SemaphoreType.DMA,
            pltpu.SemaphoreType.DMA,
        ],
        compiler_params=pltpu.CompilerParams(
            use_tc_tiling_on_sc=False, needs_layout_passes=False),
    )
    out5 = k(table, idx_t)
    out3 = out5.transpose(0, 1, 3, 2, 4).reshape(hist, EMBED, batch)
    return out3.transpose(2, 0, 1)

# --- scband reference (transcript-rebuilt; emitter-appended) ---
"""Pipeline reference for scband-model-embeddings-70815420776510 (READ-ONLY COPY).

The authoritative reference and input builder live on the scoring server;
editing this copy changes nothing except your own understanding.
"""

import jax, jax.numpy as jnp
import numpy as np

VOCAB = 1000000
EMBED = 64
BATCH = 16384
HIST = 50
PAD_IDX = 0

def setup_inputs(seed: int = 0) -> dict:
    key = jax.random.key(seed)
    k_idx, k_tab = jax.random.split(key)
    indices = jax.random.randint(k_idx, (BATCH, HIST), 0, VOCAB, dtype=jnp.int64 if jax.config.jax_enable_x64 else jnp.int32)
    table = jax.random.normal(k_tab, (VOCAB, EMBED), dtype=jnp.float32)
    # padding_idx row is zero-initialized, matching nn.Embedding(padding_idx=0)
    table = table.at[PAD_IDX].set(0.0)
    return {"indices": indices, "table": table}

def reference(indices, table):
    # nn.Embedding forward with padding_idx: row PAD_IDX is forced to zero
    emb = table.at[PAD_IDX].set(0.0)
    return jnp.take(emb, indices, axis=0)

if __name__ == "__main__":
    import jax
    _d = setup_inputs()
    print(jax.jit(kernel)(*tuple(_d.values())))

</pallas_src>

<mosaic_0001>
#map = affine_map<(d0, d1) -> (0, 0)>
#map1 = affine_map<(d0, d1) -> (0, 0, 0, 0, 0)>
module attributes {stable_mosaic.version = 14 : i64} {
  func.func @_emb_kernel(%arg0: i32, %arg1: i32, %arg2: memref<1000000x64xf32, #tpu.memory_space<hbm>>, %arg3: memref<50x16384xi32, #tpu.memory_space<hbm>>, %arg4: memref<50x8x128x8x128xf32, #tpu.memory_space<hbm>>, %arg5: memref<50x512xi32, #tpu.memory_space<vmem>>, %arg6: memref<256x64xf32, #tpu.memory_space<vmem>>, %arg7: memref<256x64xf32, #tpu.memory_space<vmem>>, %arg8: memref<2x8x8x129xf32, #tpu.memory_space<vmem>>, %arg9: memref<2x8x8x129xf32, #tpu.memory_space<vmem>>, %arg10: memref<!tpu.dma_semaphore, #tpu.memory_space<semaphore_mem>>, %arg11: memref<!tpu.dma_semaphore, #tpu.memory_space<semaphore_mem>>, %arg12: memref<!tpu.dma_semaphore, #tpu.memory_space<semaphore_mem>>, %arg13: memref<!tpu.dma_semaphore, #tpu.memory_space<semaphore_mem>>, %arg14: memref<!tpu.dma_semaphore, #tpu.memory_space<semaphore_mem>>) attributes {dimension_semantics = [#tpu.dimension_semantics<core_parallel>, #tpu.dimension_semantics<subcore_parallel>], iteration_bounds = array<i64: 2, 16>, scalar_prefetch = 0 : i64, scratch_operands = 10 : i64, tpu.core_type = #tpu.core_type<sc_vector_subcore>, window_params = [{transform_indices = #map}, {transform_indices = #map}, {transform_indices = #map1}]} {
    %mul3A = arith.constant 2 : i32
    %mul3A_0 = arith.muli %arg1, %mul3A : i32
    %add3A = arith.addi %mul3A_0, %arg0 : i32
    %mul3A_1 = arith.constant 512 : i32
    %mul3A_2 = arith.muli %add3A, %mul3A_1 : i32
    %multiple_of3A = tpu.assume_multiple %mul3A_2, 8 : i32
    %dma_start3A = arith.constant 0 : i32
    %dma_start3A_3 = tpu.memref_slice %arg3[%dma_start3A, %multiple_of3A] : memref<50x16384xi32, #tpu.memory_space<hbm>> -> memref<50x512xi32, #tpu.memory_space<hbm>>
    %dma_start3A_4 = arith.constant 0 : i32
    %dma_start3A_5 = tpu.memref_slice %arg3[%dma_start3A_4, %multiple_of3A] : memref<50x16384xi32, #tpu.memory_space<hbm>> -> memref<50x512xi32, #tpu.memory_space<hbm>>
    tpu.enqueue_dma source(%dma_start3A_5 : memref<50x512xi32, #tpu.memory_space<hbm>>) target(%arg5 : memref<50x512xi32, #tpu.memory_space<vmem>>) target_semaphore(%arg10 : memref<!tpu.dma_semaphore, #tpu.memory_space<semaphore_mem>>)
    %dma_wait3A = arith.constant 0 : i32
    %dma_wait3A_6 = tpu.memref_slice %arg3[%dma_wait3A, %multiple_of3A] : memref<50x16384xi32, #tpu.memory_space<hbm>> -> memref<50x512xi32, #tpu.memory_space<hbm>>
    %dma_wait3A_7 = arith.constant 0 : i32
    %dma_wait3A_8 = tpu.memref_slice %arg3[%dma_wait3A_7, %multiple_of3A] : memref<50x16384xi32, #tpu.memory_space<hbm>> -> memref<50x512xi32, #tpu.memory_space<hbm>>
    tpu.wait_dma2 semaphore(%arg10 : memref<!tpu.dma_semaphore, #tpu.memory_space<semaphore_mem>>) src(%dma_wait3A_8 : memref<50x512xi32, #tpu.memory_space<hbm>>) dst(%arg5 : memref<50x512xi32, #tpu.memory_space<vmem>>)
    %iota3A = tpu.iota {dimensions = array<i32: 0>} : vector<16xi32>
    %rem3A = arith.constant 8 : i32
    %rem3A_9 = vector.broadcast %rem3A : i32 to vector<16xi32>
    %rem3A_10 = arith.remsi %iota3A, %rem3A_9 : vector<16xi32>
    %jit3A = arith.constant 8 : i32
    %div3A = vector.broadcast %jit3A : i32 to vector<16xi32>
    %div3A_11 = arith.divsi %iota3A, %div3A : vector<16xi32>
    %sign3A = arith.constant 0 : i32
    %sign3A_12 = vector.broadcast %sign3A : i32 to vector<16xi32>
    %sign3A_13 = arith.cmpi sgt, %iota3A, %sign3A_12 : vector<16xi32>
    %sign3A_14 = arith.extui %sign3A_13 : vector<16xi1> to vector<16xi32>
    %sign3A_15 = arith.constant 0 : i32
    %sign3A_16 = vector.broadcast %sign3A_15 : i32 to vector<16xi32>
    %sign3A_17 = arith.cmpi slt, %iota3A, %sign3A_16 : vector<16xi32>
    %sign3A_18 = arith.extui %sign3A_17 : vector<16xi1> to vector<16xi32>
    %sign3A_19 = arith.subi %sign3A_14, %sign3A_18 : vector<16xi32>
    %sign3A_20 = arith.constant 0 : i32
    %sign3A_21 = arith.cmpi sgt, %jit3A, %sign3A_20 : i32
    %sign3A_22 = arith.extui %sign3A_21 : i1 to i32
    %sign3A_23 = arith.constant 0 : i32
    %sign3A_24 = arith.cmpi slt, %jit3A, %sign3A_23 : i32
    %sign3A_25 = arith.extui %sign3A_24 : i1 to i32
    %sign3A_26 = arith.subi %sign3A_22, %sign3A_25 : i32
    %ne3A = vector.broadcast %sign3A_26 : i32 to vector<16xi32>
    %ne3A_27 = arith.cmpi ne, %sign3A_19, %ne3A : vector<16xi32>
    %rem3A_28 = vector.broadcast %jit3A : i32 to vector<16xi32>
    %rem3A_29 = arith.remsi %iota3A, %rem3A_28 : vector<16xi32>
    %ne3A_30 = arith.constant 0 : i32
    %ne3A_31 = vector.broadcast %ne3A_30 : i32 to vector<16xi32>
    %ne3A_32 = arith.cmpi ne, %rem3A_29, %ne3A_31 : vector<16xi32>
    %and3A = arith.andi %ne3A_27, %ne3A_32 : vector<16xi1>
    %sub3A = arith.constant 1 : i32
    %sub3A_33 = vector.broadcast %sub3A : i32 to vector<16xi32>
    %sub3A_34 = arith.subi %div3A_11, %sub3A_33 : vector<16xi32>
    %select_n3A = arith.select %and3A, %sub3A_34, %div3A_11 : vector<16xi1>, vector<16xi32>
    %add3A_35 = arith.constant 0 : i32
    %add3A_36 = vector.broadcast %add3A_35 : i32 to vector<16xi32>
    %add3A_37 = arith.addi %select_n3A, %add3A_36 : vector<16xi32>
    %jit3A_38 = arith.constant 8 : i32
    %div3A_39 = vector.broadcast %jit3A_38 : i32 to vector<16xi32>
    %div3A_40 = arith.divsi %iota3A, %div3A_39 : vector<16xi32>
    %sign3A_41 = arith.constant 0 : i32
    %sign3A_42 = vector.broadcast %sign3A_41 : i32 to vector<16xi32>
    %sign3A_43 = arith.cmpi sgt, %iota3A, %sign3A_42 : vector<16xi32>
    %sign3A_44 = arith.extui %sign3A_43 : vector<16xi1> to vector<16xi32>
    %sign3A_45 = arith.constant 0 : i32
    %sign3A_46 = vector.broadcast %sign3A_45 : i32 to vector<16xi32>
    %sign3A_47 = arith.cmpi slt, %iota3A, %sign3A_46 : vector<16xi32>
    %sign3A_48 = arith.extui %sign3A_47 : vector<16xi1> to vector<16xi32>
    %sign3A_49 = arith.subi %sign3A_44, %sign3A_48 : vector<16xi32>
    %sign3A_50 = arith.constant 0 : i32
    %sign3A_51 = arith.cmpi sgt, %jit3A_38, %sign3A_50 : i32
    %sign3A_52 = arith.extui %sign3A_51 : i1 to i32
    %sign3A_53 = arith.constant 0 : i32
    %sign3A_54 = arith.cmpi slt, %jit3A_38, %sign3A_53 : i32
    %sign3A_55 = arith.extui %sign3A_54 : i1 to i32
    %sign3A_56 = arith.subi %sign3A_52, %sign3A_55 : i32
    %ne3A_57 = vector.broadcast %sign3A_56 : i32 to vector<16xi32>
    %ne3A_58 = arith.cmpi ne, %sign3A_49, %ne3A_57 : vector<16xi32>
    %rem3A_59 = vector.broadcast %jit3A_38 : i32 to vector<16xi32>
    %rem3A_60 = arith.remsi %iota3A, %rem3A_59 : vector<16xi32>
    %ne3A_61 = arith.constant 0 : i32
    %ne3A_62 = vector.broadcast %ne3A_61 : i32 to vector<16xi32>
    %ne3A_63 = arith.cmpi ne, %rem3A_60, %ne3A_62 : vector<16xi32>
    %and3A_64 = arith.andi %ne3A_58, %ne3A_63 : vector<16xi1>
    %sub3A_65 = arith.constant 1 : i32
    %sub3A_66 = vector.broadcast %sub3A_65 : i32 to vector<16xi32>
    %sub3A_67 = arith.subi %div3A_40, %sub3A_66 : vector<16xi32>
    %select_n3A_68 = arith.select %and3A_64, %sub3A_67, %div3A_40 : vector<16xi1>, vector<16xi32>
    %add3A_69 = arith.constant 2 : i32
    %add3A_70 = vector.broadcast %add3A_69 : i32 to vector<16xi32>
    %add3A_71 = arith.addi %select_n3A_68, %add3A_70 : vector<16xi32>
    %jit3A_72 = arith.constant 8 : i32
    %div3A_73 = vector.broadcast %jit3A_72 : i32 to vector<16xi32>
    %div3A_74 = arith.divsi %iota3A, %div3A_73 : vector<16xi32>
    %sign3A_75 = arith.constant 0 : i32
    %sign3A_76 = vector.broadcast %sign3A_75 : i32 to vector<16xi32>
    %sign3A_77 = arith.cmpi sgt, %iota3A, %sign3A_76 : vector<16xi32>
    %sign3A_78 = arith.extui %sign3A_77 : vector<16xi1> to vector<16xi32>
    %sign3A_79 = arith.constant 0 : i32
    %sign3A_80 = vector.broadcast %sign3A_79 : i32 to vector<16xi32>
    %sign3A_81 = arith.cmpi slt, %iota3A, %sign3A_80 : vector<16xi32>
    %sign3A_82 = arith.extui %sign3A_81 : vector<16xi1> to vector<16xi32>
    %sign3A_83 = arith.subi %sign3A_78, %sign3A_82 : vector<16xi32>
    %sign3A_84 = arith.constant 0 : i32
    %sign3A_85 = arith.cmpi sgt, %jit3A_72, %sign3A_84 : i32
    %sign3A_86 = arith.extui %sign3A_85 : i1 to i32
    %sign3A_87 = arith.constant 0 : i32
    %sign3A_88 = arith.cmpi slt, %jit3A_72, %sign3A_87 : i32
    %sign3A_89 = arith.extui %sign3A_88 : i1 to i32
    %sign3A_90 = arith.subi %sign3A_86, %sign3A_89 : i32
    %ne3A_91 = vector.broadcast %sign3A_90 : i32 to vector<16xi32>
    %ne3A_92 = arith.cmpi ne, %sign3A_83, %ne3A_91 : vector<16xi32>
    %rem3A_93 = vector.broadcast %jit3A_72 : i32 to vector<16xi32>
    %rem3A_94 = arith.remsi %iota3A, %rem3A_93 : vector<16xi32>
    %ne3A_95 = arith.constant 0 : i32
    %ne3A_96 = vector.broadcast %ne3A_95 : i32 to vector<16xi32>
    %ne3A_97 = arith.cmpi ne, %rem3A_94, %ne3A_96 : vector<16xi32>
    %and3A_98 = arith.andi %ne3A_92, %ne3A_97 : vector<16xi1>
    %sub3A_99 = arith.constant 1 : i32
    %sub3A_100 = vector.broadcast %sub3A_99 : i32 to vector<16xi32>
    %sub3A_101 = arith.subi %div3A_74, %sub3A_100 : vector<16xi32>
    %select_n3A_102 = arith.select %and3A_98, %sub3A_101, %div3A_74 : vector<16xi1>, vector<16xi32>
    %add3A_103 = arith.constant 4 : i32
    %add3A_104 = vector.broadcast %add3A_103 : i32 to vector<16xi32>
    %add3A_105 = arith.addi %select_n3A_102, %add3A_104 : vector<16xi32>
    %jit3A_106 = arith.constant 8 : i32
    %div3A_107 = vector.broadcast %jit3A_106 : i32 to vector<16xi32>
    %div3A_108 = arith.divsi %iota3A, %div3A_107 : vector<16xi32>
    %sign3A_109 = arith.constant 0 : i32
    %sign3A_110 = vector.broadcast %sign3A_109 : i32 to vector<16xi32>
    %sign3A_111 = arith.cmpi sgt, %iota3A, %sign3A_110 : vector<16xi32>
    %sign3A_112 = arith.extui %sign3A_111 : vector<16xi1> to vector<16xi32>
    %sign3A_113 = arith.constant 0 : i32
    %sign3A_114 = vector.broadcast %sign3A_113 : i32 to vector<16xi32>
    %sign3A_115 = arith.cmpi slt, %iota3A, %sign3A_114 : vector<16xi32>
    %sign3A_116 = arith.extui %sign3A_115 : vector<16xi1> to vector<16xi32>
    %sign3A_117 = arith.subi %sign3A_112, %sign3A_116 : vector<16xi32>
    %sign3A_118 = arith.constant 0 : i32
    %sign3A_119 = arith.cmpi sgt, %jit3A_106, %sign3A_118 : i32
    %sign3A_120 = arith.extui %sign3A_119 : i1 to i32
    %sign3A_121 = arith.constant 0 : i32
    %sign3A_122 = arith.cmpi slt, %jit3A_106, %sign3A_121 : i32
    %sign3A_123 = arith.extui %sign3A_122 : i1 to i32
    %sign3A_124 = arith.subi %sign3A_120, %sign3A_123 : i32
    %ne3A_125 = vector.broadcast %sign3A_124 : i32 to vector<16xi32>
    %ne3A_126 = arith.cmpi ne, %sign3A_117, %ne3A_125 : vector<16xi32>
    %rem3A_127 = vector.broadcast %jit3A_106 : i32 to vector<16xi32>
    %rem3A_128 = arith.remsi %iota3A, %rem3A_127 : vector<16xi32>
    %ne3A_129 = arith.constant 0 : i32
    %ne3A_130 = vector.broadcast %ne3A_129 : i32 to vector<16xi32>
    %ne3A_131 = arith.cmpi ne, %rem3A_128, %ne3A_130 : vector<16xi32>
    %and3A_132 = arith.andi %ne3A_126, %ne3A_131 : vector<16xi1>
    %sub3A_133 = arith.constant 1 : i32
    %sub3A_134 = vector.broadcast %sub3A_133 : i32 to vector<16xi32>
    %sub3A_135 = arith.subi %div3A_108, %sub3A_134 : vector<16xi32>
    %select_n3A_136 = arith.select %and3A_132, %sub3A_135, %div3A_108 : vector<16xi1>, vector<16xi32>
    %add3A_137 = arith.constant 6 : i32
    %add3A_138 = vector.broadcast %add3A_137 : i32 to vector<16xi32>
    %add3A_139 = arith.addi %select_n3A_136, %add3A_138 : vector<16xi32>
    %multiple_of3A_140 = arith.constant 0 : i32
    %multiple_of3A_141 = tpu.assume_multiple %multiple_of3A_140, 8 : i32
    %dma_start3A_142 = arith.constant 0 : i32
    %dma_start3A_143 = tpu.memref_slice %arg5[%dma_start3A_142, %multiple_of3A_141] : memref<50x512xi32, #tpu.memory_space<vmem>> -> memref<1x256xi32, #tpu.memory_space<vmem>>
    %dma_start3A_144 = tpu.memref_squeeze %dma_start3A_143 : memref<1x256xi32, #tpu.memory_space<vmem>> -> memref<256xi32, #tpu.memory_space<vmem>>
    %dma_start3A_145 = arith.constant 0 : i32
    %dma_start3A_146 = arith.constant 0 : i32
    %dma_start3A_147 = tpu.memref_slice %arg2[%dma_start3A_145, %dma_start3A_146] : memref<1000000x64xf32, #tpu.memory_space<hbm>> -> memref<1000000x64xf32, #tpu.memory_space<hbm>>
    tpu.enqueue_indirect_dma source(%dma_start3A_147 : memref<1000000x64xf32, #tpu.memory_space<hbm>>) target(%arg6 : memref<256x64xf32, #tpu.memory_space<vmem>>) offsets(%dma_start3A_144 : memref<256xi32, #tpu.memory_space<vmem>>) semaphore(%arg11 : memref<!tpu.dma_semaphore, #tpu.memory_space<semaphore_mem>>)
    %scan3A = arith.constant 0 : i32
    %scan3A_148 = arith.constant 50 : i32
    %scan3A_149 = arith.addi %scan3A, %scan3A_148 : i32
    %scan3A_150 = arith.constant 1 : i32
    scf.for %scan3A_300 = %scan3A to %scan3A_149 step %scan3A_150  : i32 {
      %mul3A_301 = arith.constant 2 : i32
      %mul3A_302 = arith.muli %scan3A_300, %mul3A_301 : i32
      %add3A_303 = arith.constant 1 : i32
      %add3A_304 = arith.addi %mul3A_302, %add3A_303 : i32
      %jit3A_305 = arith.constant 2 : i32
      %div3A_306 = arith.divsi %add3A_304, %jit3A_305 : i32
      %sign3A_307 = arith.constant 0 : i32
      %sign3A_308 = arith.cmpi sgt, %add3A_304, %sign3A_307 : i32
      %sign3A_309 = arith.extui %sign3A_308 : i1 to i32
      %sign3A_310 = arith.constant 0 : i32
      %sign3A_311 = arith.cmpi slt, %add3A_304, %sign3A_310 : i32
      %sign3A_312 = arith.extui %sign3A_311 : i1 to i32
      %sign3A_313 = arith.subi %sign3A_309, %sign3A_312 : i32
      %sign3A_314 = arith.constant 0 : i32
      %sign3A_315 = arith.cmpi sgt, %jit3A_305, %sign3A_314 : i32
      %sign3A_316 = arith.extui %sign3A_315 : i1 to i32
      %sign3A_317 = arith.constant 0 : i32
      %sign3A_318 = arith.cmpi slt, %jit3A_305, %sign3A_317 : i32
      %sign3A_319 = arith.extui %sign3A_318 : i1 to i32
      %sign3A_320 = arith.subi %sign3A_316, %sign3A_319 : i32
      %ne3A_321 = arith.cmpi ne, %sign3A_313, %sign3A_320 : i32
      %rem3A_322 = arith.remsi %add3A_304, %jit3A_305 : i32
      %ne3A_323 = arith.constant 0 : i32
      %ne3A_324 = arith.cmpi ne, %rem3A_322, %ne3A_323 : i32
      %and3A_325 = arith.andi %ne3A_321, %ne3A_324 : i1
      %sub3A_326 = arith.constant 1 : i32
      %sub3A_327 = arith.subi %div3A_306, %sub3A_326 : i32
      %select_n3A_328 = arith.select %and3A_325, %sub3A_327, %div3A_306 : i32
      %jit3A_329 = arith.constant 2 : i32
      %eq3A = arith.constant 0 : i32
      %eq3A_330 = arith.cmpi eq, %jit3A_329, %eq3A : i32
      %jit3A_331 = arith.constant 1 : i32
      %select_n3A_332 = arith.select %eq3A_330, %jit3A_331, %jit3A_329 : i32
      %rem3A_333 = arith.remsi %add3A_304, %select_n3A_332 : i32
      %ne3A_334 = arith.constant 0 : i32
      %ne3A_335 = arith.cmpi ne, %rem3A_333, %ne3A_334 : i32
      %lt3A = arith.constant 0 : i32
      %lt3A_336 = arith.cmpi slt, %rem3A_333, %lt3A : i32
      %lt3A_337 = arith.constant 0 : i32
      %lt3A_338 = arith.cmpi slt, %select_n3A_332, %lt3A_337 : i32
      %ne3A_339 = arith.xori %lt3A_336, %lt3A_338 : i1
      %and3A_340 = arith.andi %ne3A_339, %ne3A_335 : i1
      %add3A_341 = arith.addi %rem3A_333, %select_n3A_332 : i32
      %select_n3A_342 = arith.select %and3A_340, %add3A_341, %rem3A_333 : i32
      %mul3A_343 = arith.constant 256 : i32
      %mul3A_344 = arith.muli %select_n3A_342, %mul3A_343 : i32
      %multiple_of3A_345 = tpu.assume_multiple %mul3A_344, 8 : i32
      %dma_start3A_346 = tpu.memref_slice %arg5[%select_n3A_328, %multiple_of3A_345] : memref<50x512xi32, #tpu.memory_space<vmem>> -> memref<1x256xi32, #tpu.memory_space<vmem>>
      %dma_start3A_347 = tpu.memref_squeeze %dma_start3A_346 : memref<1x256xi32, #tpu.memory_space<vmem>> -> memref<256xi32, #tpu.memory_space<vmem>>
      %dma_start3A_348 = arith.constant 0 : i32
      %dma_start3A_349 = arith.constant 0 : i32
      %dma_start3A_350 = tpu.memref_slice %arg2[%dma_start3A_348, %dma_start3A_349] : memref<1000000x64xf32, #tpu.memory_space<hbm>> -> memref<1000000x64xf32, #tpu.memory_space<hbm>>
      tpu.enqueue_indirect_dma source(%dma_start3A_350 : memref<1000000x64xf32, #tpu.memory_space<hbm>>) target(%arg7 : memref<256x64xf32, #tpu.memory_space<vmem>>) offsets(%dma_start3A_347 : memref<256xi32, #tpu.memory_space<vmem>>) semaphore(%arg12 : memref<!tpu.dma_semaphore, #tpu.memory_space<semaphore_mem>>)
      %jit3A_351 = arith.constant 2 : i32
      %div3A_352 = arith.divsi %mul3A_302, %jit3A_351 : i32
      %sign3A_353 = arith.constant 0 : i32
      %sign3A_354 = arith.cmpi sgt, %mul3A_302, %sign3A_353 : i32
      %sign3A_355 = arith.extui %sign3A_354 : i1 to i32
      %sign3A_356 = arith.constant 0 : i32
      %sign3A_357 = arith.cmpi slt, %mul3A_302, %sign3A_356 : i32
      %sign3A_358 = arith.extui %sign3A_357 : i1 to i32
      %sign3A_359 = arith.subi %sign3A_355, %sign3A_358 : i32
      %sign3A_360 = arith.constant 0 : i32
      %sign3A_361 = arith.cmpi sgt, %jit3A_351, %sign3A_360 : i32
      %sign3A_362 = arith.extui %sign3A_361 : i1 to i32
      %sign3A_363 = arith.constant 0 : i32
      %sign3A_364 = arith.cmpi slt, %jit3A_351, %sign3A_363 : i32
      %sign3A_365 = arith.extui %sign3A_364 : i1 to i32
      %sign3A_366 = arith.subi %sign3A_362, %sign3A_365 : i32
      %ne3A_367 = arith.cmpi ne, %sign3A_359, %sign3A_366 : i32
      %rem3A_368 = arith.remsi %mul3A_302, %jit3A_351 : i32
      %ne3A_369 = arith.constant 0 : i32
      %ne3A_370 = arith.cmpi ne, %rem3A_368, %ne3A_369 : i32
      %and3A_371 = arith.andi %ne3A_367, %ne3A_370 : i1
      %sub3A_372 = arith.constant 1 : i32
      %sub3A_373 = arith.subi %div3A_352, %sub3A_372 : i32
      %select_n3A_374 = arith.select %and3A_371, %sub3A_373, %div3A_352 : i32
      %jit3A_375 = arith.constant 2 : i32
      %eq3A_376 = arith.constant 0 : i32
      %eq3A_377 = arith.cmpi eq, %jit3A_375, %eq3A_376 : i32
      %jit3A_378 = arith.constant 1 : i32
      %select_n3A_379 = arith.select %eq3A_377, %jit3A_378, %jit3A_375 : i32
      %rem3A_380 = arith.remsi %mul3A_302, %select_n3A_379 : i32
      %ne3A_381 = arith.constant 0 : i32
      %ne3A_382 = arith.cmpi ne, %rem3A_380, %ne3A_381 : i32
      %lt3A_383 = arith.constant 0 : i32
      %lt3A_384 = arith.cmpi slt, %rem3A_380, %lt3A_383 : i32
      %lt3A_385 = arith.constant 0 : i32
      %lt3A_386 = arith.cmpi slt, %select_n3A_379, %lt3A_385 : i32
      %ne3A_387 = arith.xori %lt3A_384, %lt3A_386 : i1
      %and3A_388 = arith.andi %ne3A_387, %ne3A_382 : i1
      %add3A_389 = arith.addi %rem3A_380, %select_n3A_379 : i32
      %select_n3A_390 = arith.select %and3A_388, %add3A_389, %rem3A_380 : i32
      %mul3A_391 = arith.constant 256 : i32
      %mul3A_392 = arith.muli %select_n3A_390, %mul3A_391 : i32
      %multiple_of3A_393 = tpu.assume_multiple %mul3A_392, 8 : i32
      %dma_wait3A_394 = tpu.memref_slice %arg5[%select_n3A_374, %multiple_of3A_393] : memref<50x512xi32, #tpu.memory_space<vmem>> -> memref<1x256xi32, #tpu.memory_space<vmem>>
      %dma_wait3A_395 = tpu.memref_squeeze %dma_wait3A_394 : memref<1x256xi32, #tpu.memory_space<vmem>> -> memref<256xi32, #tpu.memory_space<vmem>>
      %dma_wait3A_396 = arith.constant 0 : i32
      %dma_wait3A_397 = arith.constant 0 : i32
      %dma_wait3A_398 = tpu.memref_slice %arg2[%dma_wait3A_396, %dma_wait3A_397] : memref<1000000x64xf32, #tpu.memory_space<hbm>> -> memref<1000000x64xf32, #tpu.memory_space<hbm>>
      tpu.wait_indirect_dma semaphore(%arg11 : memref<!tpu.dma_semaphore, #tpu.memory_space<semaphore_mem>>) src(%dma_wait3A_398 : memref<1000000x64xf32, #tpu.memory_space<hbm>>) dst(%arg6 : memref<256x64xf32, #tpu.memory_space<vmem>>)
      %gt3A = arith.constant 0 : i32
      %gt3A_399 = arith.cmpi sgt, %scan3A_300, %gt3A : i32
      %convert_element_type3A = arith.extui %gt3A_399 : i1 to i32
      %cond3A = arith.constant 0 : i32
      %cond3A_400 = arith.cmpi ne, %convert_element_type3A, %cond3A : i32
      scf.if %cond3A_400 {
        %jit3A_692 = arith.constant 2 : i32
        %div3A_693 = arith.divsi %mul3A_302, %jit3A_692 : i32
        %sign3A_694 = arith.constant 0 : i32
        %sign3A_695 = arith.cmpi sgt, %mul3A_302, %sign3A_694 : i32
        %sign3A_696 = arith.extui %sign3A_695 : i1 to i32
        %sign3A_697 = arith.constant 0 : i32
        %sign3A_698 = arith.cmpi slt, %mul3A_302, %sign3A_697 : i32
        %sign3A_699 = arith.extui %sign3A_698 : i1 to i32
        %sign3A_700 = arith.subi %sign3A_696, %sign3A_699 : i32
        %sign3A_701 = arith.constant 0 : i32
        %sign3A_702 = arith.cmpi sgt, %jit3A_692, %sign3A_701 : i32
        %sign3A_703 = arith.extui %sign3A_702 : i1 to i32
        %sign3A_704 = arith.constant 0 : i32
        %sign3A_705 = arith.cmpi slt, %jit3A_692, %sign3A_704 : i32
        %sign3A_706 = arith.extui %sign3A_705 : i1 to i32
        %sign3A_707 = arith.subi %sign3A_703, %sign3A_706 : i32
        %ne3A_708 = arith.cmpi ne, %sign3A_700, %sign3A_707 : i32
        %rem3A_709 = arith.remsi %mul3A_302, %jit3A_692 : i32
        %ne3A_710 = arith.constant 0 : i32
        %ne3A_711 = arith.cmpi ne, %rem3A_709, %ne3A_710 : i32
        %and3A_712 = arith.andi %ne3A_708, %ne3A_711 : i1
        %sub3A_713 = arith.constant 1 : i32
        %sub3A_714 = arith.subi %div3A_693, %sub3A_713 : i32
        %select_n3A_715 = arith.select %and3A_712, %sub3A_714, %div3A_693 : i32
        %jit3A_716 = arith.constant 2 : i32
        %eq3A_717 = arith.constant 0 : i32
        %eq3A_718 = arith.cmpi eq, %jit3A_716, %eq3A_717 : i32
        %jit3A_719 = arith.constant 1 : i32
        %select_n3A_720 = arith.select %eq3A_718, %jit3A_719, %jit3A_716 : i32
        %rem3A_721 = arith.remsi %mul3A_302, %select_n3A_720 : i32
        %ne3A_722 = arith.constant 0 : i32
        %ne3A_723 = arith.cmpi ne, %rem3A_721, %ne3A_722 : i32
        %lt3A_724 = arith.constant 0 : i32
        %lt3A_725 = arith.cmpi slt, %rem3A_721, %lt3A_724 : i32
        %lt3A_726 = arith.constant 0 : i32
        %lt3A_727 = arith.cmpi slt, %select_n3A_720, %lt3A_726 : i32
        %ne3A_728 = arith.xori %lt3A_725, %lt3A_727 : i1
        %and3A_729 = arith.andi %ne3A_728, %ne3A_723 : i1
        %add3A_730 = arith.addi %rem3A_721, %select_n3A_720 : i32
        %select_n3A_731 = arith.select %and3A_729, %add3A_730, %rem3A_721 : i32
        %mul3A_732 = arith.constant 256 : i32
        %mul3A_733 = arith.muli %select_n3A_731, %mul3A_732 : i32
        %add3A_734 = arith.addi %multiple_of3A, %mul3A_733 : i32
        %jit3A_735 = arith.constant 128 : i32
        %div3A_736 = arith.divsi %add3A_734, %jit3A_735 : i32
        %sign3A_737 = arith.constant 0 : i32
        %sign3A_738 = arith.cmpi sgt, %add3A_734, %sign3A_737 : i32
        %sign3A_739 = arith.extui %sign3A_738 : i1 to i32
        %sign3A_740 = arith.constant 0 : i32
        %sign3A_741 = arith.cmpi slt, %add3A_734, %sign3A_740 : i32
        %sign3A_742 = arith.extui %sign3A_741 : i1 to i32
        %sign3A_743 = arith.subi %sign3A_739, %sign3A_742 : i32
        %sign3A_744 = arith.constant 0 : i32
        %sign3A_745 = arith.cmpi sgt, %jit3A_735, %sign3A_744 : i32
        %sign3A_746 = arith.extui %sign3A_745 : i1 to i32
        %sign3A_747 = arith.constant 0 : i32
        %sign3A_748 = arith.cmpi slt, %jit3A_735, %sign3A_747 : i32
        %sign3A_749 = arith.extui %sign3A_748 : i1 to i32
        %sign3A_750 = arith.subi %sign3A_746, %sign3A_749 : i32
        %ne3A_751 = arith.cmpi ne, %sign3A_743, %sign3A_750 : i32
        %rem3A_752 = arith.remsi %add3A_734, %jit3A_735 : i32
        %ne3A_753 = arith.constant 0 : i32
        %ne3A_754 = arith.cmpi ne, %rem3A_752, %ne3A_753 : i32
        %and3A_755 = arith.andi %ne3A_751, %ne3A_754 : i1
        %sub3A_756 = arith.constant 1 : i32
        %sub3A_757 = arith.subi %div3A_736, %sub3A_756 : i32
        %select_n3A_758 = arith.select %and3A_755, %sub3A_757, %div3A_736 : i32
        %add3A_759 = arith.constant 0 : i32
        %add3A_760 = arith.addi %select_n3A_758, %add3A_759 : i32
        %add3A_761 = arith.constant 1 : i32
        %add3A_762 = arith.addi %select_n3A_758, %add3A_761 : i32
        %dma_wait3A_763 = arith.constant 0 : i32
        %dma_wait3A_764 = arith.constant 0 : i32
        %dma_wait3A_765 = arith.constant 0 : i32
        %dma_wait3A_766 = arith.constant 0 : i32
        %dma_wait3A_767 = tpu.memref_slice %arg8[%dma_wait3A_763, %dma_wait3A_764, %dma_wait3A_765, %dma_wait3A_766] : memref<2x8x8x129xf32, #tpu.memory_space<vmem>> -> memref<1x8x8x128xf32, #tpu.memory_space<vmem>>
        %dma_wait3A_768 = tpu.memref_squeeze %dma_wait3A_767 : memref<1x8x8x128xf32, #tpu.memory_space<vmem>> -> memref<8x8x128xf32, #tpu.memory_space<vmem>>
        %dma_wait3A_769 = arith.constant 0 : i32
        %dma_wait3A_770 = arith.constant 0 : i32
        %dma_wait3A_771 = arith.constant 0 : i32
        %dma_wait3A_772 = tpu.memref_slice %arg4[%select_n3A_715, %dma_wait3A_769, %add3A_760, %dma_wait3A_770, %dma_wait3A_771] : memref<50x8x128x8x128xf32, #tpu.memory_space<hbm>> -> memref<1x8x1x8x128xf32, #tpu.memory_space<hbm>>
        %dma_wait3A_773 = tpu.memref_squeeze %dma_wait3A_772 : memref<1x8x1x8x128xf32, #tpu.memory_space<hbm>> -> memref<8x8x128xf32, #tpu.memory_space<hbm>>
        %dma_wait3A_774 = arith.constant 0 : i32
        %dma_wait3A_775 = arith.constant 0 : i32
        %dma_wait3A_776 = arith.constant 0 : i32
        %dma_wait3A_777 = tpu.memref_slice %arg4[%select_n3A_715, %dma_wait3A_774, %add3A_760, %dma_wait3A_775, %dma_wait3A_776] : memref<50x8x128x8x128xf32, #tpu.memory_space<hbm>> -> memref<1x8x1x8x128xf32, #tpu.memory_space<hbm>>
        %dma_wait3A_778 = tpu.memref_squeeze %dma_wait3A_777 : memref<1x8x1x8x128xf32, #tpu.memory_space<hbm>> -> memref<8x8x128xf32, #tpu.memory_space<hbm>>
        %dma_wait3A_779 = arith.constant 0 : i32
        %dma_wait3A_780 = arith.constant 0 : i32
        %dma_wait3A_781 = arith.constant 0 : i32
        %dma_wait3A_782 = tpu.memref_slice %arg8[%dma_wait3A_763, %dma_wait3A_779, %dma_wait3A_780, %dma_wait3A_781] : memref<2x8x8x129xf32, #tpu.memory_space<vmem>> -> memref<1x8x8x128xf32, #tpu.memory_space<vmem>>
        %dma_wait3A_783 = tpu.memref_squeeze %dma_wait3A_782 : memref<1x8x8x128xf32, #tpu.memory_space<vmem>> -> memref<8x8x128xf32, #tpu.memory_space<vmem>>
        tpu.wait_dma2 semaphore(%arg13 : memref<!tpu.dma_semaphore, #tpu.memory_space<semaphore_mem>>) src(%dma_wait3A_783 : memref<8x8x128xf32, #tpu.memory_space<vmem>>) dst(%dma_wait3A_778 : memref<8x8x128xf32, #tpu.memory_space<hbm>>)
        %dma_wait3A_784 = arith.constant 1 : i32
        %dma_wait3A_785 = arith.constant 0 : i32
        %dma_wait3A_786 = arith.constant 0 : i32
        %dma_wait3A_787 = arith.constant 0 : i32
        %dma_wait3A_788 = tpu.memref_slice %arg8[%dma_wait3A_784, %dma_wait3A_785, %dma_wait3A_786, %dma_wait3A_787] : memref<2x8x8x129xf32, #tpu.memory_space<vmem>> -> memref<1x8x8x128xf32, #tpu.memory_space<vmem>>
        %dma_wait3A_789 = tpu.memref_squeeze %dma_wait3A_788 : memref<1x8x8x128xf32, #tpu.memory_space<vmem>> -> memref<8x8x128xf32, #tpu.memory_space<vmem>>
        %dma_wait3A_790 = arith.constant 0 : i32
        %dma_wait3A_791 = arith.constant 0 : i32
        %dma_wait3A_792 = arith.constant 0 : i32
        %dma_wait3A_793 = tpu.memref_slice %arg4[%select_n3A_715, %dma_wait3A_790, %add3A_762, %dma_wait3A_791, %dma_wait3A_792] : memref<50x8x128x8x128xf32, #tpu.memory_space<hbm>> -> memref<1x8x1x8x128xf32, #tpu.memory_space<hbm>>
        %dma_wait3A_794 = tpu.memref_squeeze %dma_wait3A_793 : memref<1x8x1x8x128xf32, #tpu.memory_space<hbm>> -> memref<8x8x128xf32, #tpu.memory_space<hbm>>
        %dma_wait3A_795 = arith.constant 0 : i32
        %dma_wait3A_796 = arith.constant 0 : i32
        %dma_wait3A_797 = arith.constant 0 : i32
        %dma_wait3A_798 = tpu.memref_slice %arg4[%select_n3A_715, %dma_wait3A_795, %add3A_762, %dma_wait3A_796, %dma_wait3A_797] : memref<50x8x128x8x128xf32, #tpu.memory_space<hbm>> -> memref<1x8x1x8x128xf32, #tpu.memory_space<hbm>>
        %dma_wait3A_799 = tpu.memref_squeeze %dma_wait3A_798 : memref<1x8x1x8x128xf32, #tpu.memory_space<hbm>> -> memref<8x8x128xf32, #tpu.memory_space<hbm>>
        %dma_wait3A_800 = arith.constant 0 : i32
        %dma_wait3A_801 = arith.constant 0 : i32
        %dma_wait3A_802 = arith.constant 0 : i32
        %dma_wait3A_803 = tpu.memref_slice %arg8[%dma_wait3A_784, %dma_wait3A_800, %dma_wait3A_801, %dma_wait3A_802] : memref<2x8x8x129xf32, #tpu.memory_space<vmem>> -> memref<1x8x8x128xf32, #tpu.memory_space<vmem>>
        %dma_wait3A_804 = tpu.memref_squeeze %dma_wait3A_803 : memref<1x8x8x128xf32, #tpu.memory_space<vmem>> -> memref<8x8x128xf32, #tpu.memory_space<vmem>>
        tpu.wait_dma2 semaphore(%arg13 : memref<!tpu.dma_semaphore, #tpu.memory_space<semaphore_mem>>) src(%dma_wait3A_804 : memref<8x8x128xf32, #tpu.memory_space<vmem>>) dst(%dma_wait3A_799 : memref<8x8x128xf32, #tpu.memory_space<hbm>>)
      } else {
      }
      %parallel_loop3A = arith.constant 0 : i32
      %parallel_loop3A_401 = arith.constant 256 : i32
      %parallel_loop3A_402 = arith.constant 1 : i32
      scf.for %parallel_loop3A_692 = %parallel_loop3A to %parallel_loop3A_401 step %parallel_loop3A_402  : i32 {
        %parallel_loop3A_693 = arith.constant 128 : i32
        %parallel_loop3A_694 = arith.divsi %parallel_loop3A_692, %parallel_loop3A_693 : i32
        %parallel_loop3A_695 = arith.constant 0 : i32
        %parallel_loop3A_696 = arith.cmpi sgt, %parallel_loop3A_692, %parallel_loop3A_695 : i32
        %parallel_loop3A_697 = arith.extui %parallel_loop3A_696 : i1 to i32
        %parallel_loop3A_698 = arith.constant 0 : i32
        %parallel_loop3A_699 = arith.cmpi slt, %parallel_loop3A_692, %parallel_loop3A_698 : i32
        %parallel_loop3A_700 = arith.extui %parallel_loop3A_699 : i1 to i32
        %parallel_loop3A_701 = arith.subi %parallel_loop3A_697, %parallel_loop3A_700 : i32
        %parallel_loop3A_702 = arith.constant 0 : i32
        %parallel_loop3A_703 = arith.cmpi sgt, %parallel_loop3A_693, %parallel_loop3A_702 : i32
        %parallel_loop3A_704 = arith.extui %parallel_loop3A_703 : i1 to i32
        %parallel_loop3A_705 = arith.constant 0 : i32
        %parallel_loop3A_706 = arith.cmpi slt, %parallel_loop3A_693, %parallel_loop3A_705 : i32
        %parallel_loop3A_707 = arith.extui %parallel_loop3A_706 : i1 to i32
        %parallel_loop3A_708 = arith.subi %parallel_loop3A_704, %parallel_loop3A_707 : i32
        %parallel_loop3A_709 = arith.cmpi ne, %parallel_loop3A_701, %parallel_loop3A_708 : i32
        %parallel_loop3A_710 = arith.remsi %parallel_loop3A_692, %parallel_loop3A_693 : i32
        %parallel_loop3A_711 = arith.constant 0 : i32
        %parallel_loop3A_712 = arith.cmpi ne, %parallel_loop3A_710, %parallel_loop3A_711 : i32
        %parallel_loop3A_713 = arith.andi %parallel_loop3A_709, %parallel_loop3A_712 : i1
        %parallel_loop3A_714 = arith.constant 1 : i32
        %parallel_loop3A_715 = arith.subi %parallel_loop3A_694, %parallel_loop3A_714 : i32
        %parallel_loop3A_716 = arith.select %parallel_loop3A_713, %parallel_loop3A_715, %parallel_loop3A_694 : i32
        %parallel_loop3A_717 = vector.broadcast %parallel_loop3A_716 : i32 to vector<16xi32>
        %parallel_loop3A_718 = arith.constant 128 : i32
        %parallel_loop3A_719 = arith.constant 0 : i32
        %parallel_loop3A_720 = arith.cmpi eq, %parallel_loop3A_718, %parallel_loop3A_719 : i32
        %parallel_loop3A_721 = arith.constant 1 : i32
        %parallel_loop3A_722 = arith.select %parallel_loop3A_720, %parallel_loop3A_721, %parallel_loop3A_718 : i32
        %parallel_loop3A_723 = arith.remsi %parallel_loop3A_692, %parallel_loop3A_722 : i32
        %parallel_loop3A_724 = arith.constant 0 : i32
        %parallel_loop3A_725 = arith.cmpi ne, %parallel_loop3A_723, %parallel_loop3A_724 : i32
        %parallel_loop3A_726 = arith.constant 0 : i32
        %parallel_loop3A_727 = arith.cmpi slt, %parallel_loop3A_723, %parallel_loop3A_726 : i32
        %parallel_loop3A_728 = arith.constant 0 : i32
        %parallel_loop3A_729 = arith.cmpi slt, %parallel_loop3A_722, %parallel_loop3A_728 : i32
        %parallel_loop3A_730 = arith.xori %parallel_loop3A_727, %parallel_loop3A_729 : i1
        %parallel_loop3A_731 = arith.andi %parallel_loop3A_730, %parallel_loop3A_725 : i1
        %parallel_loop3A_732 = arith.addi %parallel_loop3A_723, %parallel_loop3A_722 : i32
        %parallel_loop3A_733 = arith.select %parallel_loop3A_731, %parallel_loop3A_732, %parallel_loop3A_723 : i32
        %parallel_loop3A_734 = vector.broadcast %parallel_loop3A_733 : i32 to vector<16xi32>
        %parallel_loop3A_735 = arith.index_cast %parallel_loop3A_692 : i32 to index
        %parallel_loop3A_736 = arith.constant 0 : index
        %parallel_loop3A_737 = tpu.vector_load %arg6[%parallel_loop3A_735, %parallel_loop3A_736] {strides = array<i32>} : memref<256x64xf32, #tpu.memory_space<vmem>>, vector<16xf32>,
        tpu.vector_store_idx %arg8[%parallel_loop3A_717, %add3A_37, %rem3A_10, %parallel_loop3A_734], %parallel_loop3A_737 : memref<2x8x8x129xf32, #tpu.memory_space<vmem>>[vector<16xi32>, vector<16xi32>, vector<16xi32>, vector<16xi32>], vector<16xf32>,
        %parallel_loop3A_738 = arith.index_cast %parallel_loop3A_692 : i32 to index
        %parallel_loop3A_739 = arith.constant 16 : index
        %parallel_loop3A_740 = tpu.vector_load %arg6[%parallel_loop3A_738, %parallel_loop3A_739] {strides = array<i32>} : memref<256x64xf32, #tpu.memory_space<vmem>>, vector<16xf32>,
        tpu.vector_store_idx %arg8[%parallel_loop3A_717, %add3A_71, %rem3A_10, %parallel_loop3A_734], %parallel_loop3A_740 : memref<2x8x8x129xf32, #tpu.memory_space<vmem>>[vector<16xi32>, vector<16xi32>, vector<16xi32>, vector<16xi32>], vector<16xf32>,
        %parallel_loop3A_741 = arith.index_cast %parallel_loop3A_692 : i32 to index
        %parallel_loop3A_742 = arith.constant 32 : index
        %parallel_loop3A_743 = tpu.vector_load %arg6[%parallel_loop3A_741, %parallel_loop3A_742] {strides = array<i32>} : memref<256x64xf32, #tpu.memory_space<vmem>>, vector<16xf32>,
        tpu.vector_store_idx %arg8[%parallel_loop3A_717, %add3A_105, %rem3A_10, %parallel_loop3A_734], %parallel_loop3A_743 : memref<2x8x8x129xf32, #tpu.memory_space<vmem>>[vector<16xi32>, vector<16xi32>, vector<16xi32>, vector<16xi32>], vector<16xf32>,
        %parallel_loop3A_744 = arith.index_cast %parallel_loop3A_692 : i32 to index
        %parallel_loop3A_745 = arith.constant 48 : index
        %parallel_loop3A_746 = tpu.vector_load %arg6[%parallel_loop3A_744, %parallel_loop3A_745] {strides = array<i32>} : memref<256x64xf32, #tpu.memory_space<vmem>>, vector<16xf32>,
        tpu.vector_store_idx %arg8[%parallel_loop3A_717, %add3A_139, %rem3A_10, %parallel_loop3A_734], %parallel_loop3A_746 : memref<2x8x8x129xf32, #tpu.memory_space<vmem>>[vector<16xi32>, vector<16xi32>, vector<16xi32>, vector<16xi32>], vector<16xf32>,
      } {sc.loop_unroll_factor = 2 : i64, sc.parallel_access}
      %jit3A_403 = arith.constant 2 : i32
      %div3A_404 = arith.divsi %mul3A_302, %jit3A_403 : i32
      %sign3A_405 = arith.constant 0 : i32
      %sign3A_406 = arith.cmpi sgt, %mul3A_302, %sign3A_405 : i32
      %sign3A_407 = arith.extui %sign3A_406 : i1 to i32
      %sign3A_408 = arith.constant 0 : i32
      %sign3A_409 = arith.cmpi slt, %mul3A_302, %sign3A_408 : i32
      %sign3A_410 = arith.extui %sign3A_409 : i1 to i32
      %sign3A_411 = arith.subi %sign3A_407, %sign3A_410 : i32
      %sign3A_412 = arith.constant 0 : i32
      %sign3A_413 = arith.cmpi sgt, %jit3A_403, %sign3A_412 : i32
      %sign3A_414 = arith.extui %sign3A_413 : i1 to i32
      %sign3A_415 = arith.constant 0 : i32
      %sign3A_416 = arith.cmpi slt, %jit3A_403, %sign3A_415 : i32
      %sign3A_417 = arith.extui %sign3A_416 : i1 to i32
      %sign3A_418 = arith.subi %sign3A_414, %sign3A_417 : i32
      %ne3A_419 = arith.cmpi ne, %sign3A_411, %sign3A_418 : i32
      %rem3A_420 = arith.remsi %mul3A_302, %jit3A_403 : i32
      %ne3A_421 = arith.constant 0 : i32
      %ne3A_422 = arith.cmpi ne, %rem3A_420, %ne3A_421 : i32
      %and3A_423 = arith.andi %ne3A_419, %ne3A_422 : i1
      %sub3A_424 = arith.constant 1 : i32
      %sub3A_425 = arith.subi %div3A_404, %sub3A_424 : i32
      %select_n3A_426 = arith.select %and3A_423, %sub3A_425, %div3A_404 : i32
      %jit3A_427 = arith.constant 2 : i32
      %eq3A_428 = arith.constant 0 : i32
      %eq3A_429 = arith.cmpi eq, %jit3A_427, %eq3A_428 : i32
      %jit3A_430 = arith.constant 1 : i32
      %select_n3A_431 = arith.select %eq3A_429, %jit3A_430, %jit3A_427 : i32
      %rem3A_432 = arith.remsi %mul3A_302, %select_n3A_431 : i32
      %ne3A_433 = arith.constant 0 : i32
      %ne3A_434 = arith.cmpi ne, %rem3A_432, %ne3A_433 : i32
      %lt3A_435 = arith.constant 0 : i32
      %lt3A_436 = arith.cmpi slt, %rem3A_432, %lt3A_435 : i32
      %lt3A_437 = arith.constant 0 : i32
      %lt3A_438 = arith.cmpi slt, %select_n3A_431, %lt3A_437 : i32
      %ne3A_439 = arith.xori %lt3A_436, %lt3A_438 : i1
      %and3A_440 = arith.andi %ne3A_439, %ne3A_434 : i1
      %add3A_441 = arith.addi %rem3A_432, %select_n3A_431 : i32
      %select_n3A_442 = arith.select %and3A_440, %add3A_441, %rem3A_432 : i32
      %mul3A_443 = arith.constant 256 : i32
      %mul3A_444 = arith.muli %select_n3A_442, %mul3A_443 : i32
      %add3A_445 = arith.addi %multiple_of3A, %mul3A_444 : i32
      %jit3A_446 = arith.constant 128 : i32
      %div3A_447 = arith.divsi %add3A_445, %jit3A_446 : i32
      %sign3A_448 = arith.constant 0 : i32
      %sign3A_449 = arith.cmpi sgt, %add3A_445, %sign3A_448 : i32
      %sign3A_450 = arith.extui %sign3A_449 : i1 to i32
      %sign3A_451 = arith.constant 0 : i32
      %sign3A_452 = arith.cmpi slt, %add3A_445, %sign3A_451 : i32
      %sign3A_453 = arith.extui %sign3A_452 : i1 to i32
      %sign3A_454 = arith.subi %sign3A_450, %sign3A_453 : i32
      %sign3A_455 = arith.constant 0 : i32
      %sign3A_456 = arith.cmpi sgt, %jit3A_446, %sign3A_455 : i32
      %sign3A_457 = arith.extui %sign3A_456 : i1 to i32
      %sign3A_458 = arith.constant 0 : i32
      %sign3A_459 = arith.cmpi slt, %jit3A_446, %sign3A_458 : i32
      %sign3A_460 = arith.extui %sign3A_459 : i1 to i32
      %sign3A_461 = arith.subi %sign3A_457, %sign3A_460 : i32
      %ne3A_462 = arith.cmpi ne, %sign3A_454, %sign3A_461 : i32
      %rem3A_463 = arith.remsi %add3A_445, %jit3A_446 : i32
      %ne3A_464 = arith.constant 0 : i32
      %ne3A_465 = arith.cmpi ne, %rem3A_463, %ne3A_464 : i32
      %and3A_466 = arith.andi %ne3A_462, %ne3A_465 : i1
      %sub3A_467 = arith.constant 1 : i32
      %sub3A_468 = arith.subi %div3A_447, %sub3A_467 : i32
      %select_n3A_469 = arith.select %and3A_466, %sub3A_468, %div3A_447 : i32
      %add3A_470 = arith.constant 0 : i32
      %add3A_471 = arith.addi %select_n3A_469, %add3A_470 : i32
      %add3A_472 = arith.constant 1 : i32
      %add3A_473 = arith.addi %select_n3A_469, %add3A_472 : i32
      %dma_start3A_474 = arith.constant 0 : i32
      %dma_start3A_475 = arith.constant 0 : i32
      %dma_start3A_476 = arith.constant 0 : i32
      %dma_start3A_477 = arith.constant 0 : i32
      %dma_start3A_478 = tpu.memref_slice %arg8[%dma_start3A_474, %dma_start3A_475, %dma_start3A_476, %dma_start3A_477] : memref<2x8x8x129xf32, #tpu.memory_space<vmem>> -> memref<1x8x8x128xf32, #tpu.memory_space<vmem>>
      %dma_start3A_479 = tpu.memref_squeeze %dma_start3A_478 : memref<1x8x8x128xf32, #tpu.memory_space<vmem>> -> memref<8x8x128xf32, #tpu.memory_space<vmem>>
      %dma_start3A_480 = arith.constant 0 : i32
      %dma_start3A_481 = arith.constant 0 : i32
      %dma_start3A_482 = arith.constant 0 : i32
      %dma_start3A_483 = tpu.memref_slice %arg4[%select_n3A_426, %dma_start3A_480, %add3A_471, %dma_start3A_481, %dma_start3A_482] : memref<50x8x128x8x128xf32, #tpu.memory_space<hbm>> -> memref<1x8x1x8x128xf32, #tpu.memory_space<hbm>>
      %dma_start3A_484 = tpu.memref_squeeze %dma_start3A_483 : memref<1x8x1x8x128xf32, #tpu.memory_space<hbm>> -> memref<8x8x128xf32, #tpu.memory_space<hbm>>
      %dma_start3A_485 = arith.constant 0 : i32
      %dma_start3A_486 = arith.constant 0 : i32
      %dma_start3A_487 = arith.constant 0 : i32
      %dma_start3A_488 = tpu.memref_slice %arg4[%select_n3A_426, %dma_start3A_485, %add3A_471, %dma_start3A_486, %dma_start3A_487] : memref<50x8x128x8x128xf32, #tpu.memory_space<hbm>> -> memref<1x8x1x8x128xf32, #tpu.memory_space<hbm>>
      %dma_start3A_489 = tpu.memref_squeeze %dma_start3A_488 : memref<1x8x1x8x128xf32, #tpu.memory_space<hbm>> -> memref<8x8x128xf32, #tpu.memory_space<hbm>>
      %dma_start3A_490 = arith.constant 0 : i32
      %dma_start3A_491 = arith.constant 0 : i32
      %dma_start3A_492 = arith.constant 0 : i32
      %dma_start3A_493 = tpu.memref_slice %arg8[%dma_start3A_474, %dma_start3A_490, %dma_start3A_491, %dma_start3A_492] : memref<2x8x8x129xf32, #tpu.memory_space<vmem>> -> memref<1x8x8x128xf32, #tpu.memory_space<vmem>>
      %dma_start3A_494 = tpu.memref_squeeze %dma_start3A_493 : memref<1x8x8x128xf32, #tpu.memory_space<vmem>> -> memref<8x8x128xf32, #tpu.memory_space<vmem>>
      tpu.enqueue_dma source(%dma_start3A_494 : memref<8x8x128xf32, #tpu.memory_space<vmem>>) target(%dma_start3A_489 : memref<8x8x128xf32, #tpu.memory_space<hbm>>) target_semaphore(%arg13 : memref<!tpu.dma_semaphore, #tpu.memory_space<semaphore_mem>>)
      %dma_start3A_495 = arith.constant 1 : i32
      %dma_start3A_496 = arith.constant 0 : i32
      %dma_start3A_497 = arith.constant 0 : i32
      %dma_start3A_498 = arith.constant 0 : i32
      %dma_start3A_499 = tpu.memref_slice %arg8[%dma_start3A_495, %dma_start3A_496, %dma_start3A_497, %dma_start3A_498] : memref<2x8x8x129xf32, #tpu.memory_space<vmem>> -> memref<1x8x8x128xf32, #tpu.memory_space<vmem>>
      %dma_start3A_500 = tpu.memref_squeeze %dma_start3A_499 : memref<1x8x8x128xf32, #tpu.memory_space<vmem>> -> memref<8x8x128xf32, #tpu.memory_space<vmem>>
      %dma_start3A_501 = arith.constant 0 : i32
      %dma_start3A_502 = arith.constant 0 : i32
      %dma_start3A_503 = arith.constant 0 : i32
      %dma_start3A_504 = tpu.memref_slice %arg4[%select_n3A_426, %dma_start3A_501, %add3A_473, %dma_start3A_502, %dma_start3A_503] : memref<50x8x128x8x128xf32, #tpu.memory_space<hbm>> -> memref<1x8x1x8x128xf32, #tpu.memory_space<hbm>>
      %dma_start3A_505 = tpu.memref_squeeze %dma_start3A_504 : memref<1x8x1x8x128xf32, #tpu.memory_space<hbm>> -> memref<8x8x128xf32, #tpu.memory_space<hbm>>
      %dma_start3A_506 = arith.constant 0 : i32
      %dma_start3A_507 = arith.constant 0 : i32
      %dma_start3A_508 = arith.constant 0 : i32
      %dma_start3A_509 = tpu.memref_slice %arg4[%select_n3A_426, %dma_start3A_506, %add3A_473, %dma_start3A_507, %dma_start3A_508] : memref<50x8x128x8x128xf32, #tpu.memory_space<hbm>> -> memref<1x8x1x8x128xf32, #tpu.memory_space<hbm>>
      %dma_start3A_510 = tpu.memref_squeeze %dma_start3A_509 : memref<1x8x1x8x128xf32, #tpu.memory_space<hbm>> -> memref<8x8x128xf32, #tpu.memory_space<hbm>>
      %dma_start3A_511 = arith.constant 0 : i32
      %dma_start3A_512 = arith.constant 0 : i32
      %dma_start3A_513 = arith.constant 0 : i32
      %dma_start3A_514 = tpu.memref_slice %arg8[%dma_start3A_495, %dma_start3A_511, %dma_start3A_512, %dma_start3A_513] : memref<2x8x8x129xf32, #tpu.memory_space<vmem>> -> memref<1x8x8x128xf32, #tpu.memory_space<vmem>>
      %dma_start3A_515 = tpu.memref_squeeze %dma_start3A_514 : memref<1x8x8x128xf32, #tpu.memory_space<vmem>> -> memref<8x8x128xf32, #tpu.memory_space<vmem>>
      tpu.enqueue_dma source(%dma_start3A_515 : memref<8x8x128xf32, #tpu.memory_space<vmem>>) target(%dma_start3A_510 : memref<8x8x128xf32, #tpu.memory_space<hbm>>) target_semaphore(%arg13 : memref<!tpu.dma_semaphore, #tpu.memory_space<semaphore_mem>>)
      %add3A_516 = arith.constant 1 : i32
      %add3A_517 = arith.addi %scan3A_300, %add3A_516 : i32
      %lt3A_518 = arith.constant 50 : i32
      %lt3A_519 = arith.cmpi slt, %add3A_517, %lt3A_518 : i32
      %convert_element_type3A_520 = arith.extui %lt3A_519 : i1 to i32
      %cond3A_521 = arith.constant 0 : i32
      %cond3A_522 = arith.cmpi ne, %convert_element_type3A_520, %cond3A_521 : i32
      scf.if %cond3A_522 {
        %add3A_692 = arith.constant 2 : i32
        %add3A_693 = arith.addi %mul3A_302, %add3A_692 : i32
        %jit3A_694 = arith.constant 2 : i32
        %div3A_695 = arith.divsi %add3A_693, %jit3A_694 : i32
        %sign3A_696 = arith.constant 0 : i32
        %sign3A_697 = arith.cmpi sgt, %add3A_693, %sign3A_696 : i32
        %sign3A_698 = arith.extui %sign3A_697 : i1 to i32
        %sign3A_699 = arith.constant 0 : i32
        %sign3A_700 = arith.cmpi slt, %add3A_693, %sign3A_699 : i32
        %sign3A_701 = arith.extui %sign3A_700 : i1 to i32
        %sign3A_702 = arith.subi %sign3A_698, %sign3A_701 : i32
        %sign3A_703 = arith.constant 0 : i32
        %sign3A_704 = arith.cmpi sgt, %jit3A_694, %sign3A_703 : i32
        %sign3A_705 = arith.extui %sign3A_704 : i1 to i32
        %sign3A_706 = arith.constant 0 : i32
        %sign3A_707 = arith.cmpi slt, %jit3A_694, %sign3A_706 : i32
        %sign3A_708 = arith.extui %sign3A_707 : i1 to i32
        %sign3A_709 = arith.subi %sign3A_705, %sign3A_708 : i32
        %ne3A_710 = arith.cmpi ne, %sign3A_702, %sign3A_709 : i32
        %rem3A_711 = arith.remsi %add3A_693, %jit3A_694 : i32
        %ne3A_712 = arith.constant 0 : i32
        %ne3A_713 = arith.cmpi ne, %rem3A_711, %ne3A_712 : i32
        %and3A_714 = arith.andi %ne3A_710, %ne3A_713 : i1
        %sub3A_715 = arith.constant 1 : i32
        %sub3A_716 = arith.subi %div3A_695, %sub3A_715 : i32
        %select_n3A_717 = arith.select %and3A_714, %sub3A_716, %div3A_695 : i32
        %jit3A_718 = arith.constant 2 : i32
        %eq3A_719 = arith.constant 0 : i32
        %eq3A_720 = arith.cmpi eq, %jit3A_718, %eq3A_719 : i32
        %jit3A_721 = arith.constant 1 : i32
        %select_n3A_722 = arith.select %eq3A_720, %jit3A_721, %jit3A_718 : i32
        %rem3A_723 = arith.remsi %add3A_693, %select_n3A_722 : i32
        %ne3A_724 = arith.constant 0 : i32
        %ne3A_725 = arith.cmpi ne, %rem3A_723, %ne3A_724 : i32
        %lt3A_726 = arith.constant 0 : i32
        %lt3A_727 = arith.cmpi slt, %rem3A_723, %lt3A_726 : i32
        %lt3A_728 = arith.constant 0 : i32
        %lt3A_729 = arith.cmpi slt, %select_n3A_722, %lt3A_728 : i32
        %ne3A_730 = arith.xori %lt3A_727, %lt3A_729 : i1
        %and3A_731 = arith.andi %ne3A_730, %ne3A_725 : i1
        %add3A_732 = arith.addi %rem3A_723, %select_n3A_722 : i32
        %select_n3A_733 = arith.select %and3A_731, %add3A_732, %rem3A_723 : i32
        %mul3A_734 = arith.constant 256 : i32
        %mul3A_735 = arith.muli %select_n3A_733, %mul3A_734 : i32
        %multiple_of3A_736 = tpu.assume_multiple %mul3A_735, 8 : i32
        %dma_start3A_737 = tpu.memref_slice %arg5[%select_n3A_717, %multiple_of3A_736] : memref<50x512xi32, #tpu.memory_space<vmem>> -> memref<1x256xi32, #tpu.memory_space<vmem>>
        %dma_start3A_738 = tpu.memref_squeeze %dma_start3A_737 : memref<1x256xi32, #tpu.memory_space<vmem>> -> memref<256xi32, #tpu.memory_space<vmem>>
        %dma_start3A_739 = arith.constant 0 : i32
        %dma_start3A_740 = arith.constant 0 : i32
        %dma_start3A_741 = tpu.memref_slice %arg2[%dma_start3A_739, %dma_start3A_740] : memref<1000000x64xf32, #tpu.memory_space<hbm>> -> memref<1000000x64xf32, #tpu.memory_space<hbm>>
        tpu.enqueue_indirect_dma source(%dma_start3A_741 : memref<1000000x64xf32, #tpu.memory_space<hbm>>) target(%arg6 : memref<256x64xf32, #tpu.memory_space<vmem>>) offsets(%dma_start3A_738 : memref<256xi32, #tpu.memory_space<vmem>>) semaphore(%arg11 : memref<!tpu.dma_semaphore, #tpu.memory_space<semaphore_mem>>)
      } else {
      }
      %jit3A_523 = arith.constant 2 : i32
      %div3A_524 = arith.divsi %add3A_304, %jit3A_523 : i32
      %sign3A_525 = arith.constant 0 : i32
      %sign3A_526 = arith.cmpi sgt, %add3A_304, %sign3A_525 : i32
      %sign3A_527 = arith.extui %sign3A_526 : i1 to i32
      %sign3A_528 = arith.constant 0 : i32
      %sign3A_529 = arith.cmpi slt, %add3A_304, %sign3A_528 : i32
      %sign3A_530 = arith.extui %sign3A_529 : i1 to i32
      %sign3A_531 = arith.subi %sign3A_527, %sign3A_530 : i32
      %sign3A_532 = arith.constant 0 : i32
      %sign3A_533 = arith.cmpi sgt, %jit3A_523, %sign3A_532 : i32
      %sign3A_534 = arith.extui %sign3A_533 : i1 to i32
      %sign3A_535 = arith.constant 0 : i32
      %sign3A_536 = arith.cmpi slt, %jit3A_523, %sign3A_535 : i32
      %sign3A_537 = arith.extui %sign3A_536 : i1 to i32
      %sign3A_538 = arith.subi %sign3A_534, %sign3A_537 : i32
      %ne3A_539 = arith.cmpi ne, %sign3A_531, %sign3A_538 : i32
      %rem3A_540 = arith.remsi %add3A_304, %jit3A_523 : i32
      %ne3A_541 = arith.constant 0 : i32
      %ne3A_542 = arith.cmpi ne, %rem3A_540, %ne3A_541 : i32
      %and3A_543 = arith.andi %ne3A_539, %ne3A_542 : i1
      %sub3A_544 = arith.constant 1 : i32
      %sub3A_545 = arith.subi %div3A_524, %sub3A_544 : i32
      %select_n3A_546 = arith.select %and3A_543, %sub3A_545, %div3A_524 : i32
      %jit3A_547 = arith.constant 2 : i32
      %eq3A_548 = arith.constant 0 : i32
      %eq3A_549 = arith.cmpi eq, %jit3A_547, %eq3A_548 : i32
      %jit3A_550 = arith.constant 1 : i32
      %select_n3A_551 = arith.select %eq3A_549, %jit3A_550, %jit3A_547 : i32
      %rem3A_552 = arith.remsi %add3A_304, %select_n3A_551 : i32
      %ne3A_553 = arith.constant 0 : i32
      %ne3A_554 = arith.cmpi ne, %rem3A_552, %ne3A_553 : i32
      %lt3A_555 = arith.constant 0 : i32
      %lt3A_556 = arith.cmpi slt, %rem3A_552, %lt3A_555 : i32
      %lt3A_557 = arith.constant 0 : i32
      %lt3A_558 = arith.cmpi slt, %select_n3A_551, %lt3A_557 : i32
      %ne3A_559 = arith.xori %lt3A_556, %lt3A_558 : i1
      %and3A_560 = arith.andi %ne3A_559, %ne3A_554 : i1
      %add3A_561 = arith.addi %rem3A_552, %select_n3A_551 : i32
      %select_n3A_562 = arith.select %and3A_560, %add3A_561, %rem3A_552 : i32
      %mul3A_563 = arith.constant 256 : i32
      %mul3A_564 = arith.muli %select_n3A_562, %mul3A_563 : i32
      %multiple_of3A_565 = tpu.assume_multiple %mul3A_564, 8 : i32
      %dma_wait3A_566 = tpu.memref_slice %arg5[%select_n3A_546, %multiple_of3A_565] : memref<50x512xi32, #tpu.memory_space<vmem>> -> memref<1x256xi32, #tpu.memory_space<vmem>>
      %dma_wait3A_567 = tpu.memref_squeeze %dma_wait3A_566 : memref<1x256xi32, #tpu.memory_space<vmem>> -> memref<256xi32, #tpu.memory_space<vmem>>
      %dma_wait3A_568 = arith.constant 0 : i32
      %dma_wait3A_569 = arith.constant 0 : i32
      %dma_wait3A_570 = tpu.memref_slice %arg2[%dma_wait3A_568, %dma_wait3A_569] : memref<1000000x64xf32, #tpu.memory_space<hbm>> -> memref<1000000x64xf32, #tpu.memory_space<hbm>>
      tpu.wait_indirect_dma semaphore(%arg12 : memref<!tpu.dma_semaphore, #tpu.memory_space<semaphore_mem>>) src(%dma_wait3A_570 : memref<1000000x64xf32, #tpu.memory_space<hbm>>) dst(%arg7 : memref<256x64xf32, #tpu.memory_space<vmem>>)
      %gt3A_571 = arith.constant 0 : i32
      %gt3A_572 = arith.cmpi sgt, %scan3A_300, %gt3A_571 : i32
      %convert_element_type3A_573 = arith.extui %gt3A_572 : i1 to i32
      %cond3A_574 = arith.constant 0 : i32
      %cond3A_575 = arith.cmpi ne, %convert_element_type3A_573, %cond3A_574 : i32
      scf.if %cond3A_575 {
        %jit3A_692 = arith.constant 2 : i32
        %div3A_693 = arith.divsi %add3A_304, %jit3A_692 : i32
        %sign3A_694 = arith.constant 0 : i32
        %sign3A_695 = arith.cmpi sgt, %add3A_304, %sign3A_694 : i32
        %sign3A_696 = arith.extui %sign3A_695 : i1 to i32
        %sign3A_697 = arith.constant 0 : i32
        %sign3A_698 = arith.cmpi slt, %add3A_304, %sign3A_697 : i32
        %sign3A_699 = arith.extui %sign3A_698 : i1 to i32
        %sign3A_700 = arith.subi %sign3A_696, %sign3A_699 : i32
        %sign3A_701 = arith.constant 0 : i32
        %sign3A_702 = arith.cmpi sgt, %jit3A_692, %sign3A_701 : i32
        %sign3A_703 = arith.extui %sign3A_702 : i1 to i32
        %sign3A_704 = arith.constant 0 : i32
        %sign3A_705 = arith.cmpi slt, %jit3A_692, %sign3A_704 : i32
        %sign3A_706 = arith.extui %sign3A_705 : i1 to i32
        %sign3A_707 = arith.subi %sign3A_703, %sign3A_706 : i32
        %ne3A_708 = arith.cmpi ne, %sign3A_700, %sign3A_707 : i32
        %rem3A_709 = arith.remsi %add3A_304, %jit3A_692 : i32
        %ne3A_710 = arith.constant 0 : i32
        %ne3A_711 = arith.cmpi ne, %rem3A_709, %ne3A_710 : i32
        %and3A_712 = arith.andi %ne3A_708, %ne3A_711 : i1
        %sub3A_713 = arith.constant 1 : i32
        %sub3A_714 = arith.subi %div3A_693, %sub3A_713 : i32
        %select_n3A_715 = arith.select %and3A_712, %sub3A_714, %div3A_693 : i32
        %jit3A_716 = arith.constant 2 : i32
        %eq3A_717 = arith.constant 0 : i32
        %eq3A_718 = arith.cmpi eq, %jit3A_716, %eq3A_717 : i32
        %jit3A_719 = arith.constant 1 : i32
        %select_n3A_720 = arith.select %eq3A_718, %jit3A_719, %jit3A_716 : i32
        %rem3A_721 = arith.remsi %add3A_304, %select_n3A_720 : i32
        %ne3A_722 = arith.constant 0 : i32
        %ne3A_723 = arith.cmpi ne, %rem3A_721, %ne3A_722 : i32
        %lt3A_724 = arith.constant 0 : i32
        %lt3A_725 = arith.cmpi slt, %rem3A_721, %lt3A_724 : i32
        %lt3A_726 = arith.constant 0 : i32
        %lt3A_727 = arith.cmpi slt, %select_n3A_720, %lt3A_726 : i32
        %ne3A_728 = arith.xori %lt3A_725, %lt3A_727 : i1
        %and3A_729 = arith.andi %ne3A_728, %ne3A_723 : i1
        %add3A_730 = arith.addi %rem3A_721, %select_n3A_720 : i32
        %select_n3A_731 = arith.select %and3A_729, %add3A_730, %rem3A_721 : i32
        %mul3A_732 = arith.constant 256 : i32
        %mul3A_733 = arith.muli %select_n3A_731, %mul3A_732 : i32
        %add3A_734 = arith.addi %multiple_of3A, %mul3A_733 : i32
        %jit3A_735 = arith.constant 128 : i32
        %div3A_736 = arith.divsi %add3A_734, %jit3A_735 : i32
        %sign3A_737 = arith.constant 0 : i32
        %sign3A_738 = arith.cmpi sgt, %add3A_734, %sign3A_737 : i32
        %sign3A_739 = arith.extui %sign3A_738 : i1 to i32
        %sign3A_740 = arith.constant 0 : i32
        %sign3A_741 = arith.cmpi slt, %add3A_734, %sign3A_740 : i32
        %sign3A_742 = arith.extui %sign3A_741 : i1 to i32
        %sign3A_743 = arith.subi %sign3A_739, %sign3A_742 : i32
        %sign3A_744 = arith.constant 0 : i32
        %sign3A_745 = arith.cmpi sgt, %jit3A_735, %sign3A_744 : i32
        %sign3A_746 = arith.extui %sign3A_745 : i1 to i32
        %sign3A_747 = arith.constant 0 : i32
        %sign3A_748 = arith.cmpi slt, %jit3A_735, %sign3A_747 : i32
        %sign3A_749 = arith.extui %sign3A_748 : i1 to i32
        %sign3A_750 = arith.subi %sign3A_746, %sign3A_749 : i32
        %ne3A_751 = arith.cmpi ne, %sign3A_743, %sign3A_750 : i32
        %rem3A_752 = arith.remsi %add3A_734, %jit3A_735 : i32
        %ne3A_753 = arith.constant 0 : i32
        %ne3A_754 = arith.cmpi ne, %rem3A_752, %ne3A_753 : i32
        %and3A_755 = arith.andi %ne3A_751, %ne3A_754 : i1
        %sub3A_756 = arith.constant 1 : i32
        %sub3A_757 = arith.subi %div3A_736, %sub3A_756 : i32
        %select_n3A_758 = arith.select %and3A_755, %sub3A_757, %div3A_736 : i32
        %add3A_759 = arith.constant 0 : i32
        %add3A_760 = arith.addi %select_n3A_758, %add3A_759 : i32
        %add3A_761 = arith.constant 1 : i32
        %add3A_762 = arith.addi %select_n3A_758, %add3A_761 : i32
        %dma_wait3A_763 = arith.constant 0 : i32
        %dma_wait3A_764 = arith.constant 0 : i32
        %dma_wait3A_765 = arith.constant 0 : i32
        %dma_wait3A_766 = arith.constant 0 : i32
        %dma_wait3A_767 = tpu.memref_slice %arg9[%dma_wait3A_763, %dma_wait3A_764, %dma_wait3A_765, %dma_wait3A_766] : memref<2x8x8x129xf32, #tpu.memory_space<vmem>> -> memref<1x8x8x128xf32, #tpu.memory_space<vmem>>
        %dma_wait3A_768 = tpu.memref_squeeze %dma_wait3A_767 : memref<1x8x8x128xf32, #tpu.memory_space<vmem>> -> memref<8x8x128xf32, #tpu.memory_space<vmem>>
        %dma_wait3A_769 = arith.constant 0 : i32
        %dma_wait3A_770 = arith.constant 0 : i32
        %dma_wait3A_771 = arith.constant 0 : i32
        %dma_wait3A_772 = tpu.memref_slice %arg4[%select_n3A_715, %dma_wait3A_769, %add3A_760, %dma_wait3A_770, %dma_wait3A_771] : memref<50x8x128x8x128xf32, #tpu.memory_space<hbm>> -> memref<1x8x1x8x128xf32, #tpu.memory_space<hbm>>
        %dma_wait3A_773 = tpu.memref_squeeze %dma_wait3A_772 : memref<1x8x1x8x128xf32, #tpu.memory_space<hbm>> -> memref<8x8x128xf32, #tpu.memory_space<hbm>>
        %dma_wait3A_774 = arith.constant 0 : i32
        %dma_wait3A_775 = arith.constant 0 : i32
        %dma_wait3A_776 = arith.constant 0 : i32
        %dma_wait3A_777 = tpu.memref_slice %arg4[%select_n3A_715, %dma_wait3A_774, %add3A_760, %dma_wait3A_775, %dma_wait3A_776] : memref<50x8x128x8x128xf32, #tpu.memory_space<hbm>> -> memref<1x8x1x8x128xf32, #tpu.memory_space<hbm>>
        %dma_wait3A_778 = tpu.memref_squeeze %dma_wait3A_777 : memref<1x8x1x8x128xf32, #tpu.memory_space<hbm>> -> memref<8x8x128xf32, #tpu.memory_space<hbm>>
        %dma_wait3A_779 = arith.constant 0 : i32
        %dma_wait3A_780 = arith.constant 0 : i32
        %dma_wait3A_781 = arith.constant 0 : i32
        %dma_wait3A_782 = tpu.memref_slice %arg9[%dma_wait3A_763, %dma_wait3A_779, %dma_wait3A_780, %dma_wait3A_781] : memref<2x8x8x129xf32, #tpu.memory_space<vmem>> -> memref<1x8x8x128xf32, #tpu.memory_space<vmem>>
        %dma_wait3A_783 = tpu.memref_squeeze %dma_wait3A_782 : memref<1x8x8x128xf32, #tpu.memory_space<vmem>> -> memref<8x8x128xf32, #tpu.memory_space<vmem>>
        tpu.wait_dma2 semaphore(%arg14 : memref<!tpu.dma_semaphore, #tpu.memory_space<semaphore_mem>>) src(%dma_wait3A_783 : memref<8x8x128xf32, #tpu.memory_space<vmem>>) dst(%dma_wait3A_778 : memref<8x8x128xf32, #tpu.memory_space<hbm>>)
        %dma_wait3A_784 = arith.constant 1 : i32
        %dma_wait3A_785 = arith.constant 0 : i32
        %dma_wait3A_786 = arith.constant 0 : i32
        %dma_wait3A_787 = arith.constant 0 : i32
        %dma_wait3A_788 = tpu.memref_slice %arg9[%dma_wait3A_784, %dma_wait3A_785, %dma_wait3A_786, %dma_wait3A_787] : memref<2x8x8x129xf32, #tpu.memory_space<vmem>> -> memref<1x8x8x128xf32, #tpu.memory_space<vmem>>
        %dma_wait3A_789 = tpu.memref_squeeze %dma_wait3A_788 : memref<1x8x8x128xf32, #tpu.memory_space<vmem>> -> memref<8x8x128xf32, #tpu.memory_space<vmem>>
        %dma_wait3A_790 = arith.constant 0 : i32
        %dma_wait3A_791 = arith.constant 0 : i32
        %dma_wait3A_792 = arith.constant 0 : i32
        %dma_wait3A_793 = tpu.memref_slice %arg4[%select_n3A_715, %dma_wait3A_790, %add3A_762, %dma_wait3A_791, %dma_wait3A_792] : memref<50x8x128x8x128xf32, #tpu.memory_space<hbm>> -> memref<1x8x1x8x128xf32, #tpu.memory_space<hbm>>
        %dma_wait3A_794 = tpu.memref_squeeze %dma_wait3A_793 : memref<1x8x1x8x128xf32, #tpu.memory_space<hbm>> -> memref<8x8x128xf32, #tpu.memory_space<hbm>>
        %dma_wait3A_795 = arith.constant 0 : i32
        %dma_wait3A_796 = arith.constant 0 : i32
        %dma_wait3A_797 = arith.constant 0 : i32
        %dma_wait3A_798 = tpu.memref_slice %arg4[%select_n3A_715, %dma_wait3A_795, %add3A_762, %dma_wait3A_796, %dma_wait3A_797] : memref<50x8x128x8x128xf32, #tpu.memory_space<hbm>> -> memref<1x8x1x8x128xf32, #tpu.memory_space<hbm>>
        %dma_wait3A_799 = tpu.memref_squeeze %dma_wait3A_798 : memref<1x8x1x8x128xf32, #tpu.memory_space<hbm>> -> memref<8x8x128xf32, #tpu.memory_space<hbm>>
        %dma_wait3A_800 = arith.constant 0 : i32
        %dma_wait3A_801 = arith.constant 0 : i32
        %dma_wait3A_802 = arith.constant 0 : i32
        %dma_wait3A_803 = tpu.memref_slice %arg9[%dma_wait3A_784, %dma_wait3A_800, %dma_wait3A_801, %dma_wait3A_802] : memref<2x8x8x129xf32, #tpu.memory_space<vmem>> -> memref<1x8x8x128xf32, #tpu.memory_space<vmem>>
        %dma_wait3A_804 = tpu.memref_squeeze %dma_wait3A_803 : memref<1x8x8x128xf32, #tpu.memory_space<vmem>> -> memref<8x8x128xf32, #tpu.memory_space<vmem>>
        tpu.wait_dma2 semaphore(%arg14 : memref<!tpu.dma_semaphore, #tpu.memory_space<semaphore_mem>>) src(%dma_wait3A_804 : memref<8x8x128xf32, #tpu.memory_space<vmem>>) dst(%dma_wait3A_799 : memref<8x8x128xf32, #tpu.memory_space<hbm>>)
      } else {
      }
      %parallel_loop3A_576 = arith.constant 0 : i32
      %parallel_loop3A_577 = arith.constant 256 : i32
      %parallel_loop3A_578 = arith.constant 1 : i32
      scf.for %parallel_loop3A_692 = %parallel_loop3A_576 to %parallel_loop3A_577 step %parallel_loop3A_578  : i32 {
        %parallel_loop3A_693 = arith.constant 128 : i32
        %parallel_loop3A_694 = arith.divsi %parallel_loop3A_692, %parallel_loop3A_693 : i32
        %parallel_loop3A_695 = arith.constant 0 : i32
        %parallel_loop3A_696 = arith.cmpi sgt, %parallel_loop3A_692, %parallel_loop3A_695 : i32
        %parallel_loop3A_697 = arith.extui %parallel_loop3A_696 : i1 to i32
        %parallel_loop3A_698 = arith.constant 0 : i32
        %parallel_loop3A_699 = arith.cmpi slt, %parallel_loop3A_692, %parallel_loop3A_698 : i32
        %parallel_loop3A_700 = arith.extui %parallel_loop3A_699 : i1 to i32
        %parallel_loop3A_701 = arith.subi %parallel_loop3A_697, %parallel_loop3A_700 : i32
        %parallel_loop3A_702 = arith.constant 0 : i32
        %parallel_loop3A_703 = arith.cmpi sgt, %parallel_loop3A_693, %parallel_loop3A_702 : i32
        %parallel_loop3A_704 = arith.extui %parallel_loop3A_703 : i1 to i32
        %parallel_loop3A_705 = arith.constant 0 : i32
        %parallel_loop3A_706 = arith.cmpi slt, %parallel_loop3A_693, %parallel_loop3A_705 : i32
        %parallel_loop3A_707 = arith.extui %parallel_loop3A_706 : i1 to i32
        %parallel_loop3A_708 = arith.subi %parallel_loop3A_704, %parallel_loop3A_707 : i32
        %parallel_loop3A_709 = arith.cmpi ne, %parallel_loop3A_701, %parallel_loop3A_708 : i32
        %parallel_loop3A_710 = arith.remsi %parallel_loop3A_692, %parallel_loop3A_693 : i32
        %parallel_loop3A_711 = arith.constant 0 : i32
        %parallel_loop3A_712 = arith.cmpi ne, %parallel_loop3A_710, %parallel_loop3A_711 : i32
        %parallel_loop3A_713 = arith.andi %parallel_loop3A_709, %parallel_loop3A_712 : i1
        %parallel_loop3A_714 = arith.constant 1 : i32
        %parallel_loop3A_715 = arith.subi %parallel_loop3A_694, %parallel_loop3A_714 : i32
        %parallel_loop3A_716 = arith.select %parallel_loop3A_713, %parallel_loop3A_715, %parallel_loop3A_694 : i32
        %parallel_loop3A_717 = vector.broadcast %parallel_loop3A_716 : i32 to vector<16xi32>
        %parallel_loop3A_718 = arith.constant 128 : i32
        %parallel_loop3A_719 = arith.constant 0 : i32
        %parallel_loop3A_720 = arith.cmpi eq, %parallel_loop3A_718, %parallel_loop3A_719 : i32
        %parallel_loop3A_721 = arith.constant 1 : i32
        %parallel_loop3A_722 = arith.select %parallel_loop3A_720, %parallel_loop3A_721, %parallel_loop3A_718 : i32
        %parallel_loop3A_723 = arith.remsi %parallel_loop3A_692, %parallel_loop3A_722 : i32
        %parallel_loop3A_724 = arith.constant 0 : i32
        %parallel_loop3A_725 = arith.cmpi ne, %parallel_loop3A_723, %parallel_loop3A_724 : i32
        %parallel_loop3A_726 = arith.constant 0 : i32
        %parallel_loop3A_727 = arith.cmpi slt, %parallel_loop3A_723, %parallel_loop3A_726 : i32
        %parallel_loop3A_728 = arith.constant 0 : i32
        %parallel_loop3A_729 = arith.cmpi slt, %parallel_loop3A_722, %parallel_loop3A_728 : i32
        %parallel_loop3A_730 = arith.xori %parallel_loop3A_727, %parallel_loop3A_729 : i1
        %parallel_loop3A_731 = arith.andi %parallel_loop3A_730, %parallel_loop3A_725 : i1
        %parallel_loop3A_732 = arith.addi %parallel_loop3A_723, %parallel_loop3A_722 : i32
        %parallel_loop3A_733 = arith.select %parallel_loop3A_731, %parallel_loop3A_732, %parallel_loop3A_723 : i32
        %parallel_loop3A_734 = vector.broadcast %parallel_loop3A_733 : i32 to vector<16xi32>
        %parallel_loop3A_735 = arith.index_cast %parallel_loop3A_692 : i32 to index
        %parallel_loop3A_736 = arith.constant 0 : index
        %parallel_loop3A_737 = tpu.vector_load %arg7[%parallel_loop3A_735, %parallel_loop3A_736] {strides = array<i32>} : memref<256x64xf32, #tpu.memory_space<vmem>>, vector<16xf32>,
        tpu.vector_store_idx %arg9[%parallel_loop3A_717, %add3A_37, %rem3A_10, %parallel_loop3A_734], %parallel_loop3A_737 : memref<2x8x8x129xf32, #tpu.memory_space<vmem>>[vector<16xi32>, vector<16xi32>, vector<16xi32>, vector<16xi32>], vector<16xf32>,
        %parallel_loop3A_738 = arith.index_cast %parallel_loop3A_692 : i32 to index
        %parallel_loop3A_739 = arith.constant 16 : index
        %parallel_loop3A_740 = tpu.vector_load %arg7[%parallel_loop3A_738, %parallel_loop3A_739] {strides = array<i32>} : memref<256x64xf32, #tpu.memory_space<vmem>>, vector<16xf32>,
        tpu.vector_store_idx %arg9[%parallel_loop3A_717, %add3A_71, %rem3A_10, %parallel_loop3A_734], %parallel_loop3A_740 : memref<2x8x8x129xf32, #tpu.memory_space<vmem>>[vector<16xi32>, vector<16xi32>, vector<16xi32>, vector<16xi32>], vector<16xf32>,
        %parallel_loop3A_741 = arith.index_cast %parallel_loop3A_692 : i32 to index
        %parallel_loop3A_742 = arith.constant 32 : index
        %parallel_loop3A_743 = tpu.vector_load %arg7[%parallel_loop3A_741, %parallel_loop3A_742] {strides = array<i32>} : memref<256x64xf32, #tpu.memory_space<vmem>>, vector<16xf32>,
        tpu.vector_store_idx %arg9[%parallel_loop3A_717, %add3A_105, %rem3A_10, %parallel_loop3A_734], %parallel_loop3A_743 : memref<2x8x8x129xf32, #tpu.memory_space<vmem>>[vector<16xi32>, vector<16xi32>, vector<16xi32>, vector<16xi32>], vector<16xf32>,
        %parallel_loop3A_744 = arith.index_cast %parallel_loop3A_692 : i32 to index
        %parallel_loop3A_745 = arith.constant 48 : index
        %parallel_loop3A_746 = tpu.vector_load %arg7[%parallel_loop3A_744, %parallel_loop3A_745] {strides = array<i32>} : memref<256x64xf32, #tpu.memory_space<vmem>>, vector<16xf32>,
        tpu.vector_store_idx %arg9[%parallel_loop3A_717, %add3A_139, %rem3A_10, %parallel_loop3A_734], %parallel_loop3A_746 : memref<2x8x8x129xf32, #tpu.memory_space<vmem>>[vector<16xi32>, vector<16xi32>, vector<16xi32>, vector<16xi32>], vector<16xf32>,
      } {sc.loop_unroll_factor = 2 : i64, sc.parallel_access}
      %jit3A_579 = arith.constant 2 : i32
      %div3A_580 = arith.divsi %add3A_304, %jit3A_579 : i32
      %sign3A_581 = arith.constant 0 : i32
      %sign3A_582 = arith.cmpi sgt, %add3A_304, %sign3A_581 : i32
      %sign3A_583 = arith.extui %sign3A_582 : i1 to i32
      %sign3A_584 = arith.constant 0 : i32
      %sign3A_585 = arith.cmpi slt, %add3A_304, %sign3A_584 : i32
      %sign3A_586 = arith.extui %sign3A_585 : i1 to i32
      %sign3A_587 = arith.subi %sign3A_583, %sign3A_586 : i32
      %sign3A_588 = arith.constant 0 : i32
      %sign3A_589 = arith.cmpi sgt, %jit3A_579, %sign3A_588 : i32
      %sign3A_590 = arith.extui %sign3A_589 : i1 to i32
      %sign3A_591 = arith.constant 0 : i32
      %sign3A_592 = arith.cmpi slt, %jit3A_579, %sign3A_591 : i32
      %sign3A_593 = arith.extui %sign3A_592 : i1 to i32
      %sign3A_594 = arith.subi %sign3A_590, %sign3A_593 : i32
      %ne3A_595 = arith.cmpi ne, %sign3A_587, %sign3A_594 : i32
      %rem3A_596 = arith.remsi %add3A_304, %jit3A_579 : i32
      %ne3A_597 = arith.constant 0 : i32
      %ne3A_598 = arith.cmpi ne, %rem3A_596, %ne3A_597 : i32
      %and3A_599 = arith.andi %ne3A_595, %ne3A_598 : i1
      %sub3A_600 = arith.constant 1 : i32
      %sub3A_601 = arith.subi %div3A_580, %sub3A_600 : i32
      %select_n3A_602 = arith.select %and3A_599, %sub3A_601, %div3A_580 : i32
      %jit3A_603 = arith.constant 2 : i32
      %eq3A_604 = arith.constant 0 : i32
      %eq3A_605 = arith.cmpi eq, %jit3A_603, %eq3A_604 : i32
      %jit3A_606 = arith.constant 1 : i32
      %select_n3A_607 = arith.select %eq3A_605, %jit3A_606, %jit3A_603 : i32
      %rem3A_608 = arith.remsi %add3A_304, %select_n3A_607 : i32
      %ne3A_609 = arith.constant 0 : i32
      %ne3A_610 = arith.cmpi ne, %rem3A_608, %ne3A_609 : i32
      %lt3A_611 = arith.constant 0 : i32
      %lt3A_612 = arith.cmpi slt, %rem3A_608, %lt3A_611 : i32
      %lt3A_613 = arith.constant 0 : i32
      %lt3A_614 = arith.cmpi slt, %select_n3A_607, %lt3A_613 : i32
      %ne3A_615 = arith.xori %lt3A_612, %lt3A_614 : i1
      %and3A_616 = arith.andi %ne3A_615, %ne3A_610 : i1
      %add3A_617 = arith.addi %rem3A_608, %select_n3A_607 : i32
      %select_n3A_618 = arith.select %and3A_616, %add3A_617, %rem3A_608 : i32
      %mul3A_619 = arith.constant 256 : i32
      %mul3A_620 = arith.muli %select_n3A_618, %mul3A_619 : i32
      %add3A_621 = arith.addi %multiple_of3A, %mul3A_620 : i32
      %jit3A_622 = arith.constant 128 : i32
      %div3A_623 = arith.divsi %add3A_621, %jit3A_622 : i32
      %sign3A_624 = arith.constant 0 : i32
      %sign3A_625 = arith.cmpi sgt, %add3A_621, %sign3A_624 : i32
      %sign3A_626 = arith.extui %sign3A_625 : i1 to i32
      %sign3A_627 = arith.constant 0 : i32
      %sign3A_628 = arith.cmpi slt, %add3A_621, %sign3A_627 : i32
      %sign3A_629 = arith.extui %sign3A_628 : i1 to i32
      %sign3A_630 = arith.subi %sign3A_626, %sign3A_629 : i32
      %sign3A_631 = arith.constant 0 : i32
      %sign3A_632 = arith.cmpi sgt, %jit3A_622, %sign3A_631 : i32
      %sign3A_633 = arith.extui %sign3A_632 : i1 to i32
      %sign3A_634 = arith.constant 0 : i32
      %sign3A_635 = arith.cmpi slt, %jit3A_622, %sign3A_634 : i32
      %sign3A_636 = arith.extui %sign3A_635 : i1 to i32
      %sign3A_637 = arith.subi %sign3A_633, %sign3A_636 : i32
      %ne3A_638 = arith.cmpi ne, %sign3A_630, %sign3A_637 : i32
      %rem3A_639 = arith.remsi %add3A_621, %jit3A_622 : i32
      %ne3A_640 = arith.constant 0 : i32
      %ne3A_641 = arith.cmpi ne, %rem3A_639, %ne3A_640 : i32
      %and3A_642 = arith.andi %ne3A_638, %ne3A_641 : i1
      %sub3A_643 = arith.constant 1 : i32
      %sub3A_644 = arith.subi %div3A_623, %sub3A_643 : i32
      %select_n3A_645 = arith.select %and3A_642, %sub3A_644, %div3A_623 : i32
      %add3A_646 = arith.constant 0 : i32
      %add3A_647 = arith.addi %select_n3A_645, %add3A_646 : i32
      %add3A_648 = arith.constant 1 : i32
      %add3A_649 = arith.addi %select_n3A_645, %add3A_648 : i32
      %dma_start3A_650 = arith.constant 0 : i32
      %dma_start3A_651 = arith.constant 0 : i32
      %dma_start3A_652 = arith.constant 0 : i32
      %dma_start3A_653 = arith.constant 0 : i32
      %dma_start3A_654 = tpu.memref_slice %arg9[%dma_start3A_650, %dma_start3A_651, %dma_start3A_652, %dma_start3A_653] : memref<2x8x8x129xf32, #tpu.memory_space<vmem>> -> memref<1x8x8x128xf32, #tpu.memory_space<vmem>>
      %dma_start3A_655 = tpu.memref_squeeze %dma_start3A_654 : memref<1x8x8x128xf32, #tpu.memory_space<vmem>> -> memref<8x8x128xf32, #tpu.memory_space<vmem>>
      %dma_start3A_656 = arith.constant 0 : i32
      %dma_start3A_657 = arith.constant 0 : i32
      %dma_start3A_658 = arith.constant 0 : i32
      %dma_start3A_659 = tpu.memref_slice %arg4[%select_n3A_602, %dma_start3A_656, %add3A_647, %dma_start3A_657, %dma_start3A_658] : memref<50x8x128x8x128xf32, #tpu.memory_space<hbm>> -> memref<1x8x1x8x128xf32, #tpu.memory_space<hbm>>
      %dma_start3A_660 = tpu.memref_squeeze %dma_start3A_659 : memref<1x8x1x8x128xf32, #tpu.memory_space<hbm>> -> memref<8x8x128xf32, #tpu.memory_space<hbm>>
      %dma_start3A_661 = arith.constant 0 : i32
      %dma_start3A_662 = arith.constant 0 : i32
      %dma_start3A_663 = arith.constant 0 : i32
      %dma_start3A_664 = tpu.memref_slice %arg4[%select_n3A_602, %dma_start3A_661, %add3A_647, %dma_start3A_662, %dma_start3A_663] : memref<50x8x128x8x128xf32, #tpu.memory_space<hbm>> -> memref<1x8x1x8x128xf32, #tpu.memory_space<hbm>>
      %dma_start3A_665 = tpu.memref_squeeze %dma_start3A_664 : memref<1x8x1x8x128xf32, #tpu.memory_space<hbm>> -> memref<8x8x128xf32, #tpu.memory_space<hbm>>
      %dma_start3A_666 = arith.constant 0 : i32
      %dma_start3A_667 = arith.constant 0 : i32
      %dma_start3A_668 = arith.constant 0 : i32
      %dma_start3A_669 = tpu.memref_slice %arg9[%dma_start3A_650, %dma_start3A_666, %dma_start3A_667, %dma_start3A_668] : memref<2x8x8x129xf32, #tpu.memory_space<vmem>> -> memref<1x8x8x128xf32, #tpu.memory_space<vmem>>
      %dma_start3A_670 = tpu.memref_squeeze %dma_start3A_669 : memref<1x8x8x128xf32, #tpu.memory_space<vmem>> -> memref<8x8x128xf32, #tpu.memory_space<vmem>>
      tpu.enqueue_dma source(%dma_start3A_670 : memref<8x8x128xf32, #tpu.memory_space<vmem>>) target(%dma_start3A_665 : memref<8x8x128xf32, #tpu.memory_space<hbm>>) target_semaphore(%arg14 : memref<!tpu.dma_semaphore, #tpu.memory_space<semaphore_mem>>)
      %dma_start3A_671 = arith.constant 1 : i32
      %dma_start3A_672 = arith.constant 0 : i32
      %dma_start3A_673 = arith.constant 0 : i32
      %dma_start3A_674 = arith.constant 0 : i32
      %dma_start3A_675 = tpu.memref_slice %arg9[%dma_start3A_671, %dma_start3A_672, %dma_start3A_673, %dma_start3A_674] : memref<2x8x8x129xf32, #tpu.memory_space<vmem>> -> memref<1x8x8x128xf32, #tpu.memory_space<vmem>>
      %dma_start3A_676 = tpu.memref_squeeze %dma_start3A_675 : memref<1x8x8x128xf32, #tpu.memory_space<vmem>> -> memref<8x8x128xf32, #tpu.memory_space<vmem>>
      %dma_start3A_677 = arith.constant 0 : i32
      %dma_start3A_678 = arith.constant 0 : i32
      %dma_start3A_679 = arith.constant 0 : i32
      %dma_start3A_680 = tpu.memref_slice %arg4[%select_n3A_602, %dma_start3A_677, %add3A_649, %dma_start3A_678, %dma_start3A_679] : memref<50x8x128x8x128xf32, #tpu.memory_space<hbm>> -> memref<1x8x1x8x128xf32, #tpu.memory_space<hbm>>
      %dma_start3A_681 = tpu.memref_squeeze %dma_start3A_680 : memref<1x8x1x8x128xf32, #tpu.memory_space<hbm>> -> memref<8x8x128xf32, #tpu.memory_space<hbm>>
      %dma_start3A_682 = arith.constant 0 : i32
      %dma_start3A_683 = arith.constant 0 : i32
      %dma_start3A_684 = arith.constant 0 : i32
      %dma_start3A_685 = tpu.memref_slice %arg4[%select_n3A_602, %dma_start3A_682, %add3A_649, %dma_start3A_683, %dma_start3A_684] : memref<50x8x128x8x128xf32, #tpu.memory_space<hbm>> -> memref<1x8x1x8x128xf32, #tpu.memory_space<hbm>>
      %dma_start3A_686 = tpu.memref_squeeze %dma_start3A_685 : memref<1x8x1x8x128xf32, #tpu.memory_space<hbm>> -> memref<8x8x128xf32, #tpu.memory_space<hbm>>
      %dma_start3A_687 = arith.constant 0 : i32
      %dma_start3A_688 = arith.constant 0 : i32
      %dma_start3A_689 = arith.constant 0 : i32
      %dma_start3A_690 = tpu.memref_slice %arg9[%dma_start3A_671, %dma_start3A_687, %dma_start3A_688, %dma_start3A_689] : memref<2x8x8x129xf32, #tpu.memory_space<vmem>> -> memref<1x8x8x128xf32, #tpu.memory_space<vmem>>
      %dma_start3A_691 = tpu.memref_squeeze %dma_start3A_690 : memref<1x8x8x128xf32, #tpu.memory_space<vmem>> -> memref<8x8x128xf32, #tpu.memory_space<vmem>>
      tpu.enqueue_dma source(%dma_start3A_691 : memref<8x8x128xf32, #tpu.memory_space<vmem>>) target(%dma_start3A_686 : memref<8x8x128xf32, #tpu.memory_space<hbm>>) target_semaphore(%arg14 : memref<!tpu.dma_semaphore, #tpu.memory_space<semaphore_mem>>)
    }
    %scan3A_151 = arith.constant 50 : i32
    %add3A_152 = arith.constant 0 : i32
    %add3A_153 = arith.addi %multiple_of3A, %add3A_152 : i32
    %jit3A_154 = arith.constant 128 : i32
    %div3A_155 = arith.divsi %add3A_153, %jit3A_154 : i32
    %sign3A_156 = arith.constant 0 : i32
    %sign3A_157 = arith.cmpi sgt, %add3A_153, %sign3A_156 : i32
    %sign3A_158 = arith.extui %sign3A_157 : i1 to i32
    %sign3A_159 = arith.constant 0 : i32
    %sign3A_160 = arith.cmpi slt, %add3A_153, %sign3A_159 : i32
    %sign3A_161 = arith.extui %sign3A_160 : i1 to i32
    %sign3A_162 = arith.subi %sign3A_158, %sign3A_161 : i32
    %sign3A_163 = arith.constant 0 : i32
    %sign3A_164 = arith.cmpi sgt, %jit3A_154, %sign3A_163 : i32
    %sign3A_165 = arith.extui %sign3A_164 : i1 to i32
    %sign3A_166 = arith.constant 0 : i32
    %sign3A_167 = arith.cmpi slt, %jit3A_154, %sign3A_166 : i32
    %sign3A_168 = arith.extui %sign3A_167 : i1 to i32
    %sign3A_169 = arith.subi %sign3A_165, %sign3A_168 : i32
    %ne3A_170 = arith.cmpi ne, %sign3A_162, %sign3A_169 : i32
    %rem3A_171 = arith.remsi %add3A_153, %jit3A_154 : i32
    %ne3A_172 = arith.constant 0 : i32
    %ne3A_173 = arith.cmpi ne, %rem3A_171, %ne3A_172 : i32
    %and3A_174 = arith.andi %ne3A_170, %ne3A_173 : i1
    %sub3A_175 = arith.constant 1 : i32
    %sub3A_176 = arith.subi %div3A_155, %sub3A_175 : i32
    %select_n3A_177 = arith.select %and3A_174, %sub3A_176, %div3A_155 : i32
    %add3A_178 = arith.constant 0 : i32
    %add3A_179 = arith.addi %select_n3A_177, %add3A_178 : i32
    %add3A_180 = arith.constant 1 : i32
    %add3A_181 = arith.addi %select_n3A_177, %add3A_180 : i32
    %dma_wait3A_182 = arith.constant 0 : i32
    %dma_wait3A_183 = arith.constant 49 : i32
    %dma_wait3A_184 = arith.constant 0 : i32
    %dma_wait3A_185 = arith.constant 0 : i32
    %dma_wait3A_186 = arith.constant 0 : i32
    %dma_wait3A_187 = tpu.memref_slice %arg8[%dma_wait3A_182, %dma_wait3A_184, %dma_wait3A_185, %dma_wait3A_186] : memref<2x8x8x129xf32, #tpu.memory_space<vmem>> -> memref<1x8x8x128xf32, #tpu.memory_space<vmem>>
    %dma_wait3A_188 = tpu.memref_squeeze %dma_wait3A_187 : memref<1x8x8x128xf32, #tpu.memory_space<vmem>> -> memref<8x8x128xf32, #tpu.memory_space<vmem>>
    %dma_wait3A_189 = arith.constant 0 : i32
    %dma_wait3A_190 = arith.constant 0 : i32
    %dma_wait3A_191 = arith.constant 0 : i32
    %dma_wait3A_192 = tpu.memref_slice %arg4[%dma_wait3A_183, %dma_wait3A_189, %add3A_179, %dma_wait3A_190, %dma_wait3A_191] : memref<50x8x128x8x128xf32, #tpu.memory_space<hbm>> -> memref<1x8x1x8x128xf32, #tpu.memory_space<hbm>>
    %dma_wait3A_193 = tpu.memref_squeeze %dma_wait3A_192 : memref<1x8x1x8x128xf32, #tpu.memory_space<hbm>> -> memref<8x8x128xf32, #tpu.memory_space<hbm>>
    %dma_wait3A_194 = arith.constant 0 : i32
    %dma_wait3A_195 = arith.constant 0 : i32
    %dma_wait3A_196 = arith.constant 0 : i32
    %dma_wait3A_197 = tpu.memref_slice %arg4[%dma_wait3A_183, %dma_wait3A_194, %add3A_179, %dma_wait3A_195, %dma_wait3A_196] : memref<50x8x128x8x128xf32, #tpu.memory_space<hbm>> -> memref<1x8x1x8x128xf32, #tpu.memory_space<hbm>>
    %dma_wait3A_198 = tpu.memref_squeeze %dma_wait3A_197 : memref<1x8x1x8x128xf32, #tpu.memory_space<hbm>> -> memref<8x8x128xf32, #tpu.memory_space<hbm>>
    %dma_wait3A_199 = arith.constant 0 : i32
    %dma_wait3A_200 = arith.constant 0 : i32
    %dma_wait3A_201 = arith.constant 0 : i32
    %dma_wait3A_202 = tpu.memref_slice %arg8[%dma_wait3A_182, %dma_wait3A_199, %dma_wait3A_200, %dma_wait3A_201] : memref<2x8x8x129xf32, #tpu.memory_space<vmem>> -> memref<1x8x8x128xf32, #tpu.memory_space<vmem>>
    %dma_wait3A_203 = tpu.memref_squeeze %dma_wait3A_202 : memref<1x8x8x128xf32, #tpu.memory_space<vmem>> -> memref<8x8x128xf32, #tpu.memory_space<vmem>>
    tpu.wait_dma2 semaphore(%arg13 : memref<!tpu.dma_semaphore, #tpu.memory_space<semaphore_mem>>) src(%dma_wait3A_203 : memref<8x8x128xf32, #tpu.memory_space<vmem>>) dst(%dma_wait3A_198 : memref<8x8x128xf32, #tpu.memory_space<hbm>>)
    %dma_wait3A_204 = arith.constant 1 : i32
    %dma_wait3A_205 = arith.constant 49 : i32
    %dma_wait3A_206 = arith.constant 0 : i32
    %dma_wait3A_207 = arith.constant 0 : i32
    %dma_wait3A_208 = arith.constant 0 : i32
    %dma_wait3A_209 = tpu.memref_slice %arg8[%dma_wait3A_204, %dma_wait3A_206, %dma_wait3A_207, %dma_wait3A_208] : memref<2x8x8x129xf32, #tpu.memory_space<vmem>> -> memref<1x8x8x128xf32, #tpu.memory_space<vmem>>
    %dma_wait3A_210 = tpu.memref_squeeze %dma_wait3A_209 : memref<1x8x8x128xf32, #tpu.memory_space<vmem>> -> memref<8x8x128xf32, #tpu.memory_space<vmem>>
    %dma_wait3A_211 = arith.constant 0 : i32
    %dma_wait3A_212 = arith.constant 0 : i32
    %dma_wait3A_213 = arith.constant 0 : i32
    %dma_wait3A_214 = tpu.memref_slice %arg4[%dma_wait3A_205, %dma_wait3A_211, %add3A_181, %dma_wait3A_212, %dma_wait3A_213] : memref<50x8x128x8x128xf32, #tpu.memory_space<hbm>> -> memref<1x8x1x8x128xf32, #tpu.memory_space<hbm>>
    %dma_wait3A_215 = tpu.memref_squeeze %dma_wait3A_214 : memref<1x8x1x8x128xf32, #tpu.memory_space<hbm>> -> memref<8x8x128xf32, #tpu.memory_space<hbm>>
    %dma_wait3A_216 = arith.constant 0 : i32
    %dma_wait3A_217 = arith.constant 0 : i32
    %dma_wait3A_218 = arith.constant 0 : i32
    %dma_wait3A_219 = tpu.memref_slice %arg4[%dma_wait3A_205, %dma_wait3A_216, %add3A_181, %dma_wait3A_217, %dma_wait3A_218] : memref<50x8x128x8x128xf32, #tpu.memory_space<hbm>> -> memref<1x8x1x8x128xf32, #tpu.memory_space<hbm>>
    %dma_wait3A_220 = tpu.memref_squeeze %dma_wait3A_219 : memref<1x8x1x8x128xf32, #tpu.memory_space<hbm>> -> memref<8x8x128xf32, #tpu.memory_space<hbm>>
    %dma_wait3A_221 = arith.constant 0 : i32
    %dma_wait3A_222 = arith.constant 0 : i32
    %dma_wait3A_223 = arith.constant 0 : i32
    %dma_wait3A_224 = tpu.memref_slice %arg8[%dma_wait3A_204, %dma_wait3A_221, %dma_wait3A_222, %dma_wait3A_223] : memref<2x8x8x129xf32, #tpu.memory_space<vmem>> -> memref<1x8x8x128xf32, #tpu.memory_space<vmem>>
    %dma_wait3A_225 = tpu.memref_squeeze %dma_wait3A_224 : memref<1x8x8x128xf32, #tpu.memory_space<vmem>> -> memref<8x8x128xf32, #tpu.memory_space<vmem>>
    tpu.wait_dma2 semaphore(%arg13 : memref<!tpu.dma_semaphore, #tpu.memory_space<semaphore_mem>>) src(%dma_wait3A_225 : memref<8x8x128xf32, #tpu.memory_space<vmem>>) dst(%dma_wait3A_220 : memref<8x8x128xf32, #tpu.memory_space<hbm>>)
    %add3A_226 = arith.constant 256 : i32
    %add3A_227 = arith.addi %multiple_of3A, %add3A_226 : i32
    %jit3A_228 = arith.constant 128 : i32
    %div3A_229 = arith.divsi %add3A_227, %jit3A_228 : i32
    %sign3A_230 = arith.constant 0 : i32
    %sign3A_231 = arith.cmpi sgt, %add3A_227, %sign3A_230 : i32
    %sign3A_232 = arith.extui %sign3A_231 : i1 to i32
    %sign3A_233 = arith.constant 0 : i32
    %sign3A_234 = arith.cmpi slt, %add3A_227, %sign3A_233 : i32
    %sign3A_235 = arith.extui %sign3A_234 : i1 to i32
    %sign3A_236 = arith.subi %sign3A_232, %sign3A_235 : i32
    %sign3A_237 = arith.constant 0 : i32
    %sign3A_238 = arith.cmpi sgt, %jit3A_228, %sign3A_237 : i32
    %sign3A_239 = arith.extui %sign3A_238 : i1 to i32
    %sign3A_240 = arith.constant 0 : i32
    %sign3A_241 = arith.cmpi slt, %jit3A_228, %sign3A_240 : i32
    %sign3A_242 = arith.extui %sign3A_241 : i1 to i32
    %sign3A_243 = arith.subi %sign3A_239, %sign3A_242 : i32
    %ne3A_244 = arith.cmpi ne, %sign3A_236, %sign3A_243 : i32
    %rem3A_245 = arith.remsi %add3A_227, %jit3A_228 : i32
    %ne3A_246 = arith.constant 0 : i32
    %ne3A_247 = arith.cmpi ne, %rem3A_245, %ne3A_246 : i32
    %and3A_248 = arith.andi %ne3A_244, %ne3A_247 : i1
    %sub3A_249 = arith.constant 1 : i32
    %sub3A_250 = arith.subi %div3A_229, %sub3A_249 : i32
    %select_n3A_251 = arith.select %and3A_248, %sub3A_250, %div3A_229 : i32
    %add3A_252 = arith.constant 0 : i32
    %add3A_253 = arith.addi %select_n3A_251, %add3A_252 : i32
    %add3A_254 = arith.constant 1 : i32
    %add3A_255 = arith.addi %select_n3A_251, %add3A_254 : i32
    %dma_wait3A_256 = arith.constant 0 : i32
    %dma_wait3A_257 = arith.constant 49 : i32
    %dma_wait3A_258 = arith.constant 0 : i32
    %dma_wait3A_259 = arith.constant 0 : i32
    %dma_wait3A_260 = arith.constant 0 : i32
    %dma_wait3A_261 = tpu.memref_slice %arg9[%dma_wait3A_256, %dma_wait3A_258, %dma_wait3A_259, %dma_wait3A_260] : memref<2x8x8x129xf32, #tpu.memory_space<vmem>> -> memref<1x8x8x128xf32, #tpu.memory_space<vmem>>
    %dma_wait3A_262 = tpu.memref_squeeze %dma_wait3A_261 : memref<1x8x8x128xf32, #tpu.memory_space<vmem>> -> memref<8x8x128xf32, #tpu.memory_space<vmem>>
    %dma_wait3A_263 = arith.constant 0 : i32
    %dma_wait3A_264 = arith.constant 0 : i32
    %dma_wait3A_265 = arith.constant 0 : i32
    %dma_wait3A_266 = tpu.memref_slice %arg4[%dma_wait3A_257, %dma_wait3A_263, %add3A_253, %dma_wait3A_264, %dma_wait3A_265] : memref<50x8x128x8x128xf32, #tpu.memory_space<hbm>> -> memref<1x8x1x8x128xf32, #tpu.memory_space<hbm>>
    %dma_wait3A_267 = tpu.memref_squeeze %dma_wait3A_266 : memref<1x8x1x8x128xf32, #tpu.memory_space<hbm>> -> memref<8x8x128xf32, #tpu.memory_space<hbm>>
    %dma_wait3A_268 = arith.constant 0 : i32
    %dma_wait3A_269 = arith.constant 0 : i32
    %dma_wait3A_270 = arith.constant 0 : i32
    %dma_wait3A_271 = tpu.memref_slice %arg4[%dma_wait3A_257, %dma_wait3A_268, %add3A_253, %dma_wait3A_269, %dma_wait3A_270] : memref<50x8x128x8x128xf32, #tpu.memory_space<hbm>> -> memref<1x8x1x8x128xf32, #tpu.memory_space<hbm>>
    %dma_wait3A_272 = tpu.memref_squeeze %dma_wait3A_271 : memref<1x8x1x8x128xf32, #tpu.memory_space<hbm>> -> memref<8x8x128xf32, #tpu.memory_space<hbm>>
    %dma_wait3A_273 = arith.constant 0 : i32
    %dma_wait3A_274 = arith.constant 0 : i32
    %dma_wait3A_275 = arith.constant 0 : i32
    %dma_wait3A_276 = tpu.memref_slice %arg9[%dma_wait3A_256, %dma_wait3A_273, %dma_wait3A_274, %dma_wait3A_275] : memref<2x8x8x129xf32, #tpu.memory_space<vmem>> -> memref<1x8x8x128xf32, #tpu.memory_space<vmem>>
    %dma_wait3A_277 = tpu.memref_squeeze %dma_wait3A_276 : memref<1x8x8x128xf32, #tpu.memory_space<vmem>> -> memref<8x8x128xf32, #tpu.memory_space<vmem>>
    tpu.wait_dma2 semaphore(%arg14 : memref<!tpu.dma_semaphore, #tpu.memory_space<semaphore_mem>>) src(%dma_wait3A_277 : memref<8x8x128xf32, #tpu.memory_space<vmem>>) dst(%dma_wait3A_272 : memref<8x8x128xf32, #tpu.memory_space<hbm>>)
    %dma_wait3A_278 = arith.constant 1 : i32
    %dma_wait3A_279 = arith.constant 49 : i32
    %dma_wait3A_280 = arith.constant 0 : i32
    %dma_wait3A_281 = arith.constant 0 : i32
    %dma_wait3A_282 = arith.constant 0 : i32
    %dma_wait3A_283 = tpu.memref_slice %arg9[%dma_wait3A_278, %dma_wait3A_280, %dma_wait3A_281, %dma_wait3A_282] : memref<2x8x8x129xf32, #tpu.memory_space<vmem>> -> memref<1x8x8x128xf32, #tpu.memory_space<vmem>>
    %dma_wait3A_284 = tpu.memref_squeeze %dma_wait3A_283 : memref<1x8x8x128xf32, #tpu.memory_space<vmem>> -> memref<8x8x128xf32, #tpu.memory_space<vmem>>
    %dma_wait3A_285 = arith.constant 0 : i32
    %dma_wait3A_286 = arith.constant 0 : i32
    %dma_wait3A_287 = arith.constant 0 : i32
    %dma_wait3A_288 = tpu.memref_slice %arg4[%dma_wait3A_279, %dma_wait3A_285, %add3A_255, %dma_wait3A_286, %dma_wait3A_287] : memref<50x8x128x8x128xf32, #tpu.memory_space<hbm>> -> memref<1x8x1x8x128xf32, #tpu.memory_space<hbm>>
    %dma_wait3A_289 = tpu.memref_squeeze %dma_wait3A_288 : memref<1x8x1x8x128xf32, #tpu.memory_space<hbm>> -> memref<8x8x128xf32, #tpu.memory_space<hbm>>
    %dma_wait3A_290 = arith.constant 0 : i32
    %dma_wait3A_291 = arith.constant 0 : i32
    %dma_wait3A_292 = arith.constant 0 : i32
    %dma_wait3A_293 = tpu.memref_slice %arg4[%dma_wait3A_279, %dma_wait3A_290, %add3A_255, %dma_wait3A_291, %dma_wait3A_292] : memref<50x8x128x8x128xf32, #tpu.memory_space<hbm>> -> memref<1x8x1x8x128xf32, #tpu.memory_space<hbm>>
    %dma_wait3A_294 = tpu.memref_squeeze %dma_wait3A_293 : memref<1x8x1x8x128xf32, #tpu.memory_space<hbm>> -> memref<8x8x128xf32, #tpu.memory_space<hbm>>
    %dma_wait3A_295 = arith.constant 0 : i32
    %dma_wait3A_296 = arith.constant 0 : i32
    %dma_wait3A_297 = arith.constant 0 : i32
    %dma_wait3A_298 = tpu.memref_slice %arg9[%dma_wait3A_278, %dma_wait3A_295, %dma_wait3A_296, %dma_wait3A_297] : memref<2x8x8x129xf32, #tpu.memory_space<vmem>> -> memref<1x8x8x128xf32, #tpu.memory_space<vmem>>
    %dma_wait3A_299 = tpu.memref_squeeze %dma_wait3A_298 : memref<1x8x8x128xf32, #tpu.memory_space<vmem>> -> memref<8x8x128xf32, #tpu.memory_space<vmem>>
    tpu.wait_dma2 semaphore(%arg14 : memref<!tpu.dma_semaphore, #tpu.memory_space<semaphore_mem>>) src(%dma_wait3A_299 : memref<8x8x128xf32, #tpu.memory_space<vmem>>) dst(%dma_wait3A_294 : memref<8x8x128xf32, #tpu.memory_space<hbm>>)
    return
  }
}

</mosaic_0001>

<sc_bundles>
// kernel: kernel.3.cloned.1.call-start
scs
__scs_entry_jumppad:
0x0: {  	(pc) =	sbr.rel $0x88, $3  }
0x1: {  	(tag) =	ssettag $0x0;
	lr =	simm.s32 $0x1  }
0x2: {  	[smem:$0x3F9F] =	sst lr;
	_ =	strace $0xD0000000  }
0x3: {  	_ = 	snop  }
0x4: {  	_ = 	snop  }
0x5: {  	_ = 	snop  }
0x6: {  	_ = 	snop  }
0x7: {  	_ = 	snop  }
__scs_overlays_trampoline_lowered:
0x8: {  	[smem:$0x3FAE] =	sst s0  }
0x9: {  	[smem:$0x3FAF] =	sst s1  }
0xa: {  	[smem:$0x3FB0] =	sst s2  }
0xb: {  	[smem:$0x3FB1] =	sst s3  }
0xc: {  	[smem:$0x3FB2] =	sst s4  }
0xd: {  	[smem:$0x3FB3] =	sst s5  }
0xe: {  	[smem:$0x3FB4] =	sst s6  }
0xf: {  	[smem:$0x3FB5] =	sst s7  }
0x10: {  	[smem:$0x3FB6] =	sst s8  }
0x11: {  	[smem:$0x3FB7] =	sst s9;
	s0 =	simm.s32 @!p0 $0x0  }
0x12: {  	s1 =	sld [smem:$0x3F9D];
	s0 =	simm.s32 @p0 $0x1  }
0x13: {  	[smem:$0x3FB8] =	sst s0;
	s0 =	simm.s32 @!p1 $0x0  }
0x14: {  	s2 =	sld [smem:$0x3F9C];
	s0 =	simm.s32 @p1 $0x1  }
0x15: {  	[smem:$0x3FB9] =	sst s0;
	s0 =	simm.s32 @!p2 $0x0  }
0x16: {  	s3 =	sld [smem:$0x3FDB];
	s0 =	simm.s32 @p2 $0x1  }
0x17: {  	s4 =	simm.s32 $0x1BF5;
	[smem:$0x3FBB] =	sst s0  }
0x18: {  	s0 =	sld [smem:$0x3F9E];
	_ =	swait.ge [sflag:s4], $0x0  }
0x19: {  	s7 =	sld [smem:$0x3F9F]  }
0x1a: {  	s8 =	sadd.s32 $0xFFFFE003, lr  }
0x1b: {  	s9 =	sadd.s32 $0xFFFFFEF7, lr;
	s5 =	simm.s32 $0xFFFFFFFF;
	p2 =	slt.u32 s8, $0xFFFFF086  }
0x1c: {  	p1 =	slt.u32 s9, $0xF7A;
	s5 =	simm.s32 @!p2 $0x0  }
0x1d: {  	s5 =	simm.s32 @p1 $0x1;
	p0 =	seq.s32 s7, s2  }
0x1e: {  	s7 =	smul.u32 @!p0 $0xF7A, s2;
	p2 =	seq.s32 @!p0 s5, $0x0  }
0x1f: {  	s9 =	smul.u32 $0xF7A, s1;
	s8 =	simm.s32 @!p0 $0x1BF5;
	p2 =	por !p2, p0  }
0x20: {  	[sflag:s8] =	ssyncset.s32 @!p0 $0xFFFFF086;
	s6 =	sadd.s32 @!p0 s3, s7;
	s7 =	simm.s32 @!p0 $0x108  }
0x21: {  	s3 =	sadd.s32 s3, s9;
	s6 =	sadd.s32 @!p0 $0x88, s6;
	s7 =	simm.s32 @p2 $0x1082  }
0x22: {  	[simem:s7], [sflag:s8] =	dma.local @!p0 [hbm:s6], $0xF7A  }
0x23: {  	s9 =	sor.u32 $0xD0000000, s2;
	s6 =	simm.s32 $0x108;
	_ =	swait.ge @!p0 [sflag:s8], $0x0  }
0x24: {  	s3 =	sadd.s32 $0x88, s3;
	s6 =	simm.s32 @!p1 $0x1082;
	[sflag:s4] =	ssyncset.s32 $0xFFFFF086  }
0x25: {  	[simem:s6], [sflag:s4] =	dma.local [hbm:s3], $0xF7A  }
0x26: {  	[smem:$0x3F9F] =	sst s1;
	(tag) =	ssettag s2;
	_ =	strace s9  }
0x27: {  	s1 =	sld [smem:$0x3FAF]  }
0x28: {  	s2 =	sld [smem:$0x3FB0]  }
0x29: {  	s4 =	sld [smem:$0x3FB2]  }
0x2a: {  	p0 =	seq.s32 s5, $0x0;
	s5 =	sld [smem:$0x3FB3]  }
0x2b: {  	s6 =	sld [smem:$0x3FB4]  }
0x2c: {  	s7 =	sld [smem:$0x3FB5]  }
0x2d: {  	s3 =	simm.s32 $0x108;
	s8 =	sld [smem:$0x3FB6]  }
0x2e: {  	s3 =	simm.s32 @!p0 $0x1082;
	s9 =	sld [smem:$0x3FB7]  }
0x2f: {  	lr =	sadd.s32 s0, s3;
	s0 =	sld [smem:$0x3FAE]  }
0x30: {  	s3 =	sld [smem:$0x3FB1]  }
0x31: {  	[smem:$0x3FBA] =	sst s10  }
0x32: {  	s10 =	sld [smem:$0x3FB8];
	_ =	sdelay $0x3  }
0x33: {  	p0 =	seq.s32 s10, $0x1;
	s10 =	sld [smem:$0x3FBA];
	_ =	sdelay $0x3  }
0x34: {  	[smem:$0x3FBA] =	sst s10  }
0x35: {  	s10 =	sld [smem:$0x3FB9];
	_ =	sdelay $0x3  }
0x36: {  	p1 =	seq.s32 s10, $0x1;
	s10 =	sld [smem:$0x3FBA];
	_ =	sdelay $0x3  }
0x37: {  	[smem:$0x3FBA] =	sst s10  }
0x38: {  	s10 =	sld [smem:$0x3FBB]  }
0x39: {  	_ = 	snop;
	(pc) =	sbr.ind lr, $3  }
0x3a: {  	_ = 	snop  }
0x3b: {  	_ = 	snop  }
0x3c: {  	p2 =	seq.s32 s10, $0x1;
	s10 =	sld [smem:$0x3FBA]  }
0x3d: {  	_ =	shalt  }
0x3e: {  	_ =	shalt  }
0x3f: {  	_ =	shalt  }
0x40: {  	_ =	shalt  }
0x41: {  	_ =	shalt  }
0x42: {  	_ =	shalt  }
0x43: {  	_ =	shalt  }
0x44: {  	_ =	shalt  }
0x45: {  	_ =	shalt  }
0x46: {  	_ =	shalt  }
0x47: {  	_ =	shalt  }
0x48: {  	_ =	shalt  }
0x49: {  	_ =	shalt  }
0x4a: {  	_ =	shalt  }
0x4b: {  	_ =	shalt  }
0x4c: {  	_ =	shalt  }
0x4d: {  	_ =	shalt  }
0x4e: {  	_ =	shalt  }
0x4f: {  	_ =	shalt  }
0x50: {  	_ =	shalt  }
0x51: {  	_ =	shalt  }
0x52: {  	_ =	shalt  }
0x53: {  	_ =	shalt  }
0x54: {  	_ =	shalt  }
0x55: {  	_ =	shalt  }
0x56: {  	_ =	shalt  }
0x57: {  	_ =	shalt  }
0x58: {  	_ =	shalt  }
0x59: {  	_ =	shalt  }
0x5a: {  	_ =	shalt  }
0x5b: {  	_ =	shalt  }
0x5c: {  	_ =	shalt  }
0x5d: {  	_ =	shalt  }
0x5e: {  	_ =	shalt  }
0x5f: {  	_ =	shalt  }
0x60: {  	_ =	shalt  }
0x61: {  	_ =	shalt  }
0x62: {  	_ =	shalt  }
0x63: {  	_ =	shalt  }
0x64: {  	_ =	shalt  }
0x65: {  	_ =	shalt  }
0x66: {  	_ =	shalt  }
0x67: {  	_ =	shalt  }
0x68: {  	_ =	shalt  }
0x69: {  	_ =	shalt  }
0x6a: {  	_ =	shalt  }
0x6b: {  	_ =	shalt  }
0x6c: {  	_ =	shalt  }
0x6d: {  	_ =	shalt  }
0x6e: {  	_ =	shalt  }
0x6f: {  	_ =	shalt  }
0x70: {  	_ =	shalt  }
0x71: {  	_ =	shalt  }
0x72: {  	_ =	shalt  }
0x73: {  	_ =	shalt  }
0x74: {  	_ =	shalt  }
0x75: {  	_ =	shalt  }
0x76: {  	_ =	shalt  }
0x77: {  	_ =	shalt  }
0x78: {  	_ =	shalt  }
0x79: {  	_ =	shalt  }
0x7a: {  	_ =	shalt  }
0x7b: {  	_ =	shalt  }
0x7c: {  	_ =	shalt  }
0x7d: {  	_ =	shalt  }
0x7e: {  	_ =	shalt  }
0x7f: {  	_ =	shalt  }
0x80: {  	_ =	shalt  }
0x81: {  	_ =	shalt  }
0x82: {  	_ =	shalt  }
0x83: {  	_ =	shalt  }
0x84: {  	_ =	shalt  }
0x85: {  	_ =	shalt  }
0x86: {  	_ =	shalt  }
0x87: {  	_ =	shalt  }
.Lfunc_end0:
.L_simem_size_0:
called_computation_lowered:
.L_overlay_start_0:
0x88: {  	s2 =	sld [smem:$0x3FD9]  }
0x89: {  	s3 =	sld [smem:$0x3FFE];
	_ =	sdelay $0x1  }
0x8a: {  	s1 =	srdreg.scid  }
0x8b: {  	s0 =	sand.u32 $0x1, s1  }
0x8c: {  	s17 =	sshll.u32 s0, $0xA;
	s2 =	sadd.s32 s3, s2  }
0x8d: {  	s2 =	sadd.s32 s2, s17  }
0x8e: {  	[smem:$0x3FC6] =	sst s2  }
0x8f: {  	_ = 	snop  }
0x90: {  	s2 =	sld [smem:$0x3FD0];
	(tm) =	ssettm $0x1  }
0x91: {  	s18 =	sld [smem:$0x3FFB];
	_ =	sdelay $0x3  }
0x92: {  	_ =	strace s18  }
0x93: {  	s3 =	sld [smem:$0x3FFC];
	_ =	sdelay $0x3  }
0x94: {  	_ =	strace s3  }
0x95: {  	s3 =	sld [smem:$0x3FFD];
	_ =	sdelay $0x3  }
0x96: {  	_ =	strace s3  }
0x97: {  	_ =	strace $0x8FFFFFFF  }
0x98: {  	s19 =	sld [smem:$0x3FDB];
	_ =	sdelay $0x1  }
0x99: {  	s4 =	simm.s32 $_scs_section_size  }
0x9a: {  	s5 =	simm.s32 $_size__tile_overlayer_lowered;
	s6 =	simm.s32 $_tile_overlayer_lowered  }
0x9b: {  	s22 =	simm.s32 $0x1BFF;
	s21 =	sshll.u32 s6, $0x1;
	s3 =	sadd.s32 s4, s19  }
0x9c: {  	s7 =	simm.s32 $0x0;
	s20 =	sshll.u32 s5, $0x1;
	s5 =	sadd.s32 s21, s3  }
0x9d: {  	[timem:s7], [sflag:s22] =	dma.local [hbm:s5], s20  }
0x9e: {  	_ =	swait.ge [sflag:s22], s20  }
0x9f: {  	s4 =	ssub.s32 $0x0, s20;
	[sflag:s22] =	ssyncset.done $0x0  }
0xa0: {  	[sflag:s22] =	ssyncadd.s32 s4;
	_ =	sdelay $0x1  }
0xa1: {  	s23 =	simm.s32 $0x1B8B  }
0xa2: {  	_ =	swait.ge [sflag:s23], $0x1  }
0xa3: {  	[sflag:s23] =	ssyncset.done $0x0  }
0xa4: {  	s25 =	simm.s32 $0x1B8E;
	s24 =	sld [smem:$0x3FFE];
	[sflag:s23] =	ssyncadd.s32 $0xFFFFFFFF  }
0xa5: {  	s26 =	simm.s32 $execute0_lowered;
	[smem:$0x3FD2] =	sst s25  }
0xa6: {  	s5 =	sshll.u32 s26, $0x1;
	_ =	strace $0x80000046;
	[dreg:$0x1] =	wrdreg $0xFFFFFFFF  }
0xa7: {  	s28 =	simm.s32 $_size_execute0_lowered;
	s3 =	sadd.s32 s3, s5;
	[dreg:$0x0] =	wrdreg $0x0  }
0xa8: {  	s5 =	sshll.u32 s28, $0x1;
	[dreg:$0x2] =	wrdreg s3  }
0xa9: {  	[dreg:$0x3] =	wrdreg s5  }
0xaa: {  	[dreg:$0x4] =	wrdreg $0xC0  }
0xab: {  	_ =	task [dreg:s7], $0x5FFFF  }
0xac: {  	[dreg:$0x1] =	wrdreg $0xFFFFFFFF  }
0xad: {  	[dreg:$0x0] =	wrdreg $0x60  }
0xae: {  	[dreg:$0x2] =	wrdreg s24  }
0xaf: {  	[dreg:$0x3] =	wrdreg s2  }
0xb0: {  	[dreg:$0x4] =	wrdreg $0x9  }
0xb1: {  	_ =	task.clear_ibuf [dreg:s7], $0x5FFFF;
	_ =	strace $0x90000046  }
0xb2: {  	s29 =	simm.s32 $0x9;
	_ =	strace $0x80000048  }
0xb3: {  	_ =	swait.ge [sflag:s29], $0x1  }
0xb4: {  	[sflag:s29] =	ssyncadd.s32 $0xFFFFFFFF  }
0xb5: {  	_ =	strace $0x90000048  }
0xb6: {  	_ =	sfence  }
0xb7: {  	s30 =	sld [smem:$0x0];
	_ =	sdelay $0x2  }
0xb8: {  	s31 =	sshll.u32 s1, $0xD;
	s1 =	sshrl.u32 s1, $0x2  }
0xb9: {  	s3 =	sand.u32 $0x4000, s31;
	s1 =	sadd.s32 s1, s30  }
0xba: {  	s0 =	sor.u32 s3, s0;
	s1 =	sshll.u32 s1, $0x11  }
0xbb: {  	s0 =	sor.u32 s1, s0  }
0xbc: {  	s0 =	sadd.s32 $0x8F2B, s0  }
0xbd: {  	[sflag:s0] =	ssyncadd.remote.s32 $0x1  }
0xbe: {  	_ =	sfence.sel $0xFFFF  }
0xbf: {  	[dreg:$0x0] =	wrdreg $0xFFFFFFFF;
	(pc) =	sbr.abs _section_cstart, $3  }
0xc0: {  	[dreg:$0x1] =	wrdreg $0xFFFFFFFF  }
0xc1: {  	_ =	task.clear_ibuf [dreg:s7], $0x2FFFF;
	_ =	strace $0x9FFFFFFF  }
0xc2: {  	(tm) =	ssettm $0x7FFFFFFF  }
0xc3: {  	_ =	shalt  }
tec
execute0_lowered:
.L_overlay_start_1:
0x0: {  	(tag) =	ssettag $0x1  }
0x1: {  	s0 =	rddreg [dreg:$0x0]  }
0x2: {  	s2 =	rddreg [dreg:$0x1]  }
0x3: {  	s3 =	srdreg.scid;
	s1 =	stileid.u32  }
0x4: {  	s11 =	simm.s32 $0x200;
	s12 =	simm.s32 $0x4000;
	s13 =	simm.s32 $0x1  }
0x5: {  	s14 =	simm.s32 $0x100;
	s15 =	simm.s32 $0x6400;
	s16 =	simm.s32 $0xA400  }
0x6: {  	s17 =	simm.s32 $0x2;
	s18 =	simm.s32 $0xE400;
	s19 =	simm.s32 $0x3  }
0x7: {  	s20 =	simm.s32 $0x5;
	s21 =	simm.s32 $0x12800;
	s22 =	simm.s32 $0x4  }
0x8: {  	s23 =	simm.s32 $0x0;
	s4 =	sand.u32 $0x1, s3;
	s3 =	simm.s32 $0x0  }
0x9: {  	s5 =	sshll.u32 s1, $0xA;
	s6 =	sshll.u32 s4, $0x9;
	[smem:$0x7FF] =	sst s3  }
0xa: {  	s7 =	ssub.s32 $0x2, s4;
	s4 =	sadd.s32 $0xF42A00, s0;
	s6 =	sor.u32 s6, s5  }
0xb: {  	v0 =	vlaneseq.u32;
	_ =	strace $0x80000047;
	s31 =	sshrl.u32 s7, $0x1;
	s5 =	sshrl.u32 s6, $0x3  }
0xc: {  	v0 =	vmul.u32 $0x88, v0;
	s10 =	ssub.s32 s7, s31;
	s9 =	sshll.u32 s6, $0x3;
	s0 =	sadd.s32 s5, s0  }
0xd: {  	s5 =	sadd.s32 s2, s6;
	s8 =	sor.u32 $0x800, s9;
	s9 =	sor.u32 $0xC00, s9  }
0xe: {  	v1 =	vadd.s32 $0x880, v0;
	v2 =	vadd.s32 $0x1100, v0;
	v3 =	vadd.s32 $0x1980, v0;
	s10 =	smax.u32 s10, $0x1;
	s6 =	sadd.s32 $0x600, s0;
	s7 =	sadd.s32 $0x80, s5  }
.LBB2_1:
0xf: {  	[tilespmem:s3], [sflag:$0x1] =	stream.strided.gather [hbm4b:s6+s11], $0x6400, s12, s11, $0x38;
	[tilespmem:$0x16C00] =	vst v63  }
0x10: {  	_ =	swait.ge [sflag:s13], $0x6400  }
0x11: {  	[sflag:s13] =	ssyncset.done $0x0  }
0x12: {  	s25 =	simm.s32 $0x0;
	[sflag:s13] =	ssyncadd.s32 $0xFFFF9C00  }
0x13: {  	[tilespmem:s15], [sflag:$0x2] =	stream.indirect.gather [hbm4b:s4+s14], $0x40, s3, s14, $0xb8;
	[tilespmem:$0x16C00] =	vst v63  }
.LBB2_3:
0x14: {  	s0 =	sshll.u32 s25, $0x9  }
0x15: {  	s24 =	smov.u32 s25;
	s25 =	sand.u32 $0x3FFFFE00, s0  }
0x16: {  	s0 =	sor.u32 $0x100, s25  }
0x17: {  	[tilespmem:s16], [sflag:$0x3] =	stream.indirect.gather [hbm4b:s4+s14], $0x40, s0, s14, $0xb8;
	[tilespmem:$0x16C00] =	vst v63  }
0x18: {  	_ =	swait.ge [sflag:s17], $0x4000  }
0x19: {  	s1 =	simm.s32 $0x0;
	p0 =	seq.s32 s24, $0x0;
	[sflag:s17] =	ssyncset.done $0x0  }
0x1a: {  	v4 =	vmov s1;
	s26 =	simm.s32 @!p0 $0x4;
	[sflag:s17] =	ssyncadd.s32 $0xFFFFC000  }
0x1b: {  	v4 =	vmul.u32 $0x2200, v4;
	_ =	swait.ge @!p0 [sflag:s26], $0x2000  }
0x1c: {  	[sflag:s26] =	ssyncset.done @!p0 $0x0  }
0x1d: {  	s1 =	simm.s32 $0x1;
	v14 =	vbroadcast v4, $0x0;
	[sflag:s26] =	ssyncadd.s32 @!p0 $0xFFFFE000  }
0x1e: {  	s28 =	simm.s32 $0x0;
	v4 =	vmov s1;
	_ =	swait.ge @!p0 [sflag:s26], $0x2000  }
0x1f: {  	v5 =	vmov s28;
	v15 =	vand.u32 $0x78, v4;
	v6 =	vadd.s32 v0, v14;
	[sflag:s26] =	ssyncset.done @!p0 $0x0  }
0x20: {  	s29 =	simm.s32 $0x6440;
	v7 =	vand.u32 $0x78, v5;
	v16 =	vand.u32 $0x7, v4;
	v4 =	vadd.s32 v15, v6;
	[sflag:s26] =	ssyncadd.s32 @!p0 $0xFFFFE000  }
0x21: {  	v5 =	vand.u32 $0x6, v5;
	v6 =	vadd.s32 v7, v6;
	v4 =	vor.u32 v16, v4;
	v8 =	vld [tilespmem:s29+$0x0]  }
0x22: {  	v6 =	vor.u32 v5, v6;
	v9 =	vld [tilespmem:s29+$0xFFFFFFC0]  }
0x23: {  	s1 =	simm.s32 $0x0  }
0x24: {  	v10 =	vmov s1  }
0x25: {  	v10 =	vmul.u32 $0x2200, v10;
	v11 =	vadd.s32 v1, v14  }
0x26: {  	v21 =	vadd.s32 v2, v14;
	[tilespmem:v4+s18+$0x0] =	vst.idx.msk $0xffff, v8;
	v4 =	vadd.s32 v15, v11  }
0x27: {  	s1 =	simm.s32 $0x3;
	v12 =	vbroadcast v10, $0x0;
	s26 =	simm.s32 $0x2;
	v8 =	vadd.s32 v7, v11;
	[tilespmem:v6+s18+$0x0] =	vst.idx.msk $0xffff, v9;
	v9 =	vld [tilespmem:s29+$0x10];
	v10 =	vor.u32 v16, v4  }
0x28: {  	v6 =	vmov s26;
	v11 =	vmov s1;
	v17 =	vld [tilespmem:s29+$0xFFFFFFD0];
	v18 =	vor.u32 v5, v8  }
0x29: {  	v19 =	vadd.s32 v0, v12;
	v4 =	vand.u32 $0x6, v6;
	v13 =	vand.u32 $0x78, v11  }
0x2a: {  	s26 =	simm.s32 $0x64C0;
	v6 =	vand.u32 $0x78, v6;
	v8 =	vand.u32 $0x7, v11;
	v11 =	vadd.s32 v13, v19  }
0x2b: {  	v25 =	vadd.s32 v1, v12;
	v20 =	vld [tilespmem:s26+$0x0];
	v19 =	vadd.s32 v6, v19;
	v11 =	vor.u32 v8, v11  }
0x2c: {  	v22 =	vld [tilespmem:s26+$0xFFFFFFC0];
	v19 =	vor.u32 v4, v19;
	[tilespmem:v10+s18+$0x0] =	vst.idx.msk $0xffff, v9;
	v9 =	vadd.s32 v15, v21  }
0x2d: {  	s28 =	simm.s32 $0x0;
	v10 =	vadd.s32 v7, v21;
	[tilespmem:v18+s18+$0x0] =	vst.idx.msk $0xffff, v17;
	v18 =	vld [tilespmem:s29+$0x20];
	v21 =	vor.u32 v16, v9  }
0x2e: {  	s1 =	simm.s32 $0x4;
	v26 =	vadd.s32 v6, v25;
	v17 =	vmov s28  }
0x2f: {  	v9 =	vmov s1;
	v23 =	vor.u32 v5, v10;
	v24 =	vld [tilespmem:s29+$0xFFFFFFE0];
	v17 =	vmul.u32 $0x2200, v17  }
0x30: {  	v26 =	vor.u32 v4, v26;
	v10 =	vand.u32 $0x6, v9;
	[tilespmem:v11+s18+$0x0] =	vst.idx.msk $0xffff, v20;
	v20 =	vadd.s32 v13, v25  }
0x31: {  	s1 =	simm.s32 $0x5;
	[tilespmem:v19+s18+$0x0] =	vst.idx.msk $0xffff, v22;
	v11 =	vbroadcast v17, $0x0;
	v25 =	vld [tilespmem:s26+$0x10];
	v27 =	vor.u32 v8, v20;
	v17 =	vadd.s32 v3, v14  }
0x32: {  	s28 =	simm.s32 $0x6540;
	v9 =	vand.u32 $0x78, v9;
	v14 =	vmov s1;
	v28 =	vld [tilespmem:s26+$0xFFFFFFD0];
	[tilespmem:v21+s18+$0x0] =	vst.idx.msk $0xffff, v18;
	v18 =	vadd.s32 v15, v17  }
0x33: {  	v19 =	vadd.s32 v0, v11;
	v15 =	vand.u32 $0x78, v14;
	v21 =	vld [tilespmem:s28+$0x0];
	v22 =	vor.u32 v16, v18  }
0x34: {  	[tilespmem:v23+s18+$0x0] =	vst.idx.msk $0xffff, v24;
	v20 =	vld [tilespmem:s29+$0x30];
	v18 =	vadd.s32 v9, v19;
	v16 =	vand.u32 $0x7, v14;
	v23 =	vadd.s32 v15, v19  }
0x35: {  	v24 =	vld [tilespmem:s28+$0xFFFFFFC0];
	v19 =	vor.u32 v10, v18;
	v23 =	vor.u32 v16, v23;
	v18 =	vadd.s32 v2, v12  }
0x36: {  	v14 =	vld [tilespmem:s29+$0xFFFFFFF0];
	s29 =	simm.s32 $0x6;
	[tilespmem:v27+s18+$0x0] =	vst.idx.msk $0xffff, v25;
	v29 =	vadd.s32 v6, v18;
	v30 =	vadd.s32 v13, v18  }
0x37: {  	s31 =	simm.s32 $0x0;
	s30 =	simm.s32 $0x8;
	v27 =	vmov s29;
	[tilespmem:v26+s18+$0x0] =	vst.idx.msk $0xffff, v28;
	v25 =	vld [tilespmem:s26+$0x20];
	v18 =	vor.u32 v4, v29;
	v26 =	vor.u32 v8, v30  }
.LBB2_4:
0x38: {  	v28 =	vmov s31;
	v29 =	vand.u32 $0x6, v27;
	v17 =	vadd.s32 v7, v17  }
0x39: {  	p1 =	slt.u32 s30, $0xFE;
	v30 =	vld [tilespmem:s26+$0xFFFFFFE0];
	[tilespmem:v22+s18+$0x0] =	vst.idx.msk $0xffff, v20;
	v7 =	vmovc v6;
	v6 =	vmovc v9;
	v31 =	vmov v15;
	v22 =	vmov v8;
	v8 =	vmov v16  }
0x3a: {  	v16 =	vadd.s32 v1, v11;
	v15 =	vmul.u32 $0x2200, v28;
	v28 =	vor.u32 v5, v17;
	v5 =	vmovc v4;
	v4 =	vmovc v10  }
0x3b: {  	v9 =	vand.u32 $0x78, v27;
	v20 =	vadd.s32 v6, v16;
	v16 =	vadd.s32 v31, v16;
	[tilespmem:v23+s18+$0x0] =	vst.idx.msk $0xffff, v21  }
0x3c: {  	s0 =	sadd.s32 $0x1, s29;
	s29 =	smov.u32 s30;
	v17 =	vadd.s32 v3, v12;
	v33 =	vor.u32 v8, v16;
	v27 =	vbroadcast v15, $0x0;
	[tilespmem:v19+s18+$0x0] =	vst.idx.msk $0xffff, v24;
	v32 =	vld [tilespmem:s28+$0x10]  }
0x3d: {  	v12 =	vmov s0;
	v10 =	vmovc v29;
	v35 =	vor.u32 v4, v20;
	v13 =	vadd.s32 v13, v17;
	v34 =	vld [tilespmem:s28+$0xFFFFFFD0];
	[tilespmem:v26+s18+$0x0] =	vst.idx.msk $0xffff, v25  }
.Ltmp0:
0x3e: {  	v15 =	vand.u32 $0x78, v12;
	v22 =	vor.u32 v22, v13;
	v19 =	vadd.s32 v0, v27;
	[tilespmem:v18+s18+$0x0] =	vst.idx.msk $0xffff, v30;
	v20 =	vld [tilespmem:s26+$0x30];
	(pc) =	sbr.rel @p1 .LBB2_4-.Ltmp0, $4  }
0x3f: {  	v16 =	vand.u32 $0x7, v12;
	v13 =	vadd.s32 v9, v19;
	v18 =	vadd.s32 v15, v19;
	[tilespmem:v28+s18+$0x0] =	vst.idx.msk $0xffff, v14;
	v14 =	vld [tilespmem:s26+$0xFFFFFFF0];
	s26 =	smov.u32 s28;
	s28 =	sadd.s32 $0x80, s28  }
0x40: {  	v29 =	vadd.s32 v2, v11;
	v12 =	vmovc v11;
	v19 =	vor.u32 v10, v13;
	v21 =	vld [tilespmem:s28+$0x0];
	v23 =	vor.u32 v16, v18  }
0x41: {  	v11 =	vmov v27;
	v28 =	vadd.s32 v31, v29;
	v18 =	vadd.s32 v6, v29;
	v24 =	vld [tilespmem:s28+$0xFFFFFFC0];
	[tilespmem:v33+s18+$0x0] =	vst.idx.msk $0xffff, v32  }
0x42: {  	s30 =	sadd.s32 $0x2, s30;
	s31 =	sshrl.u32 s29, $0x7;
	v27 =	vmov s29;
	v26 =	vor.u32 v8, v28;
	v18 =	vor.u32 v4, v18;
	[tilespmem:v35+s18+$0x0] =	vst.idx.msk $0xffff, v34;
	v25 =	vld [tilespmem:s26+$0x20];
	v13 =	vmovc v31  }
0x43: {  	v28 =	vmov s31  }
0x44: {  	v28 =	vmul.u32 $0x2200, v28;
	_ =	sdelay $0x1  }
0x45: {  	s0 =	sadd.s32 $0x1, s29;
	v28 =	vbroadcast v28, $0x0  }
0x46: {  	v29 =	vmov s0  }
0x47: {  	v31 =	vand.u32 $0x78, v29;
	v30 =	vadd.s32 v0, v28  }
0x48: {  	v32 =	vand.u32 $0x78, v27;
	s29 =	sadd.s32 $0x80, s28;
	v29 =	vand.u32 $0x7, v29;
	v33 =	vadd.s32 v31, v30  }
0x49: {  	v27 =	vand.u32 $0x6, v27;
	v34 =	vld [tilespmem:s29+$0x0];
	v30 =	vadd.s32 v32, v30;
	v33 =	vor.u32 v29, v33  }
0x4a: {  	[tilespmem:v22+s18+$0x0] =	vst.idx.msk $0xffff, v20;
	v35 =	vld [tilespmem:s29+$0xFFFFFFC0];
	v63 =	vor.u32 v27, v30  }
0x4b: {  	v62 =	vadd.s32 v1, v11;
	v7 =	vadd.s32 v7, v17;
	[tilespmem:v23+s18+$0x0] =	vst.idx.msk $0xffff, v21  }
0x4c: {  	v36 =	vadd.s32 v15, v62;
	v20 =	vadd.s32 v9, v62;
	[tilespmem:v19+s18+$0x0] =	vst.idx.msk $0xffff, v24  }
0x4d: {  	v21 =	vor.u32 v16, v36;
	v37 =	vld [tilespmem:s28+$0x10];
	[tilespmem:v26+s18+$0x0] =	vst.idx.msk $0xffff, v25;
	v39 =	vadd.s32 v1, v28  }
0x4e: {  	v20 =	vor.u32 v10, v20;
	v38 =	vld [tilespmem:s28+$0xFFFFFFD0];
	v41 =	vadd.s32 v31, v39;
	[tilespmem:v33+s18+$0x0] =	vst.idx.msk $0xffff, v34  }
0x4f: {  	v42 =	vadd.s32 v32, v39;
	v25 =	vor.u32 v29, v41;
	[tilespmem:v63+s18+$0x0] =	vst.idx.msk $0xffff, v35;
	v43 =	vld [tilespmem:s29+$0x10]  }
0x50: {  	v44 =	vadd.s32 v2, v11;
	v46 =	vadd.s32 v3, v12;
	v17 =	vor.u32 v27, v42;
	v45 =	vld [tilespmem:s29+$0xFFFFFFD0]  }
0x51: {  	v57 =	vadd.s32 v3, v11;
	v5 =	vor.u32 v5, v7;
	v47 =	vadd.s32 v15, v44  }
0x52: {  	v40 =	vld [tilespmem:s26+$0xFFFFFFE0];
	v13 =	vadd.s32 v13, v46;
	v12 =	vor.u32 v16, v47;
	[tilespmem:v21+s18+$0x0] =	vst.idx.msk $0xffff, v37  }
0x53: {  	v19 =	vadd.s32 v9, v44;
	v51 =	vadd.s32 v2, v28;
	[tilespmem:v20+s18+$0x0] =	vst.idx.msk $0xffff, v38;
	v48 =	vld [tilespmem:s28+$0x20]  }
0x54: {  	v49 =	vor.u32 v10, v19;
	v52 =	vadd.s32 v31, v51;
	v50 =	vld [tilespmem:s28+$0xFFFFFFE0];
	[tilespmem:v25+s18+$0x0] =	vst.idx.msk $0xffff, v43  }
0x55: {  	v22 =	vadd.s32 v32, v51;
	v54 =	vor.u32 v29, v52;
	[tilespmem:v17+s18+$0x0] =	vst.idx.msk $0xffff, v45;
	v53 =	vld [tilespmem:s29+$0x20]  }
0x56: {  	v6 =	vadd.s32 v6, v46;
	[tilespmem:v5+s18+$0x0] =	vst.idx.msk $0xffff, v14;
	v5 =	vor.u32 v27, v22;
	v55 =	vld [tilespmem:s29+$0xFFFFFFE0]  }
0x57: {  	v59 =	vadd.s32 v15, v57;
	v8 =	vor.u32 v8, v13;
	[tilespmem:v18+s18+$0x0] =	vst.idx.msk $0xffff, v40;
	v56 =	vld [tilespmem:s26+$0x30]  }
0x58: {  	v7 =	vadd.s32 v9, v57;
	v4 =	vor.u32 v4, v6;
	v58 =	vld [tilespmem:s26+$0xFFFFFFF0];
	[tilespmem:v12+s18+$0x0] =	vst.idx.msk $0xffff, v48  }
0x59: {  	v6 =	vor.u32 v16, v59;
	v60 =	vadd.s32 v3, v28;
	[tilespmem:v49+s18+$0x0] =	vst.idx.msk $0xffff, v50;
	v12 =	vld [tilespmem:s28+$0x30]  }
0x5a: {  	v7 =	vor.u32 v10, v7;
	v62 =	vadd.s32 v31, v60;
	v61 =	vld [tilespmem:s28+$0xFFFFFFF0];
	[tilespmem:v54+s18+$0x0] =	vst.idx.msk $0xffff, v53  }
0x5b: {  	v9 =	vadd.s32 v32, v60;
	v10 =	vor.u32 v29, v62;
	[tilespmem:v5+s18+$0x0] =	vst.idx.msk $0xffff, v55;
	v5 =	vld [tilespmem:s29+$0x30]  }
0x5c: {  	v9 =	vor.u32 v27, v9;
	[tilespmem:v8+s18+$0x0] =	vst.idx.msk $0xffff, v56;
	v63 =	vld [tilespmem:s29+$0xFFFFFFF0]  }
0x5d: {  	[tilespmem:v4+s18+$0x0] =	vst.idx.msk $0xffff, v58  }
0x5e: {  	[tilespmem:v6+s18+$0x0] =	vst.idx.msk $0xffff, v12  }
0x5f: {  	[tilespmem:v7+s18+$0x0] =	vst.idx.msk $0xffff, v61  }
0x60: {  	s26 =	sshll.u32 s24, $0x11;
	[tilespmem:v10+s18+$0x0] =	vst.idx.msk $0xffff, v5  }
0x61: {  	s1 =	simm.s32 $0xE400;
	s29 =	sadd.s32 s26, s5;
	[tilespmem:v9+s18+$0x0] =	vst.idx.msk $0xffff, v63  }
0x62: {  	[hbm4b:s29+s3] =	stream.linear.scatter [tilespmem:s1], [sflag:$0x4], $0x80, $0x38;
	[tilespmem:$0x16C00] =	vst v63  }
0x63: {  	s28 =	sadd.s32 $0x10, s29;
	s1 =	simm.s32 $0xE488  }
0x64: {  	[hbm4b:s28+s3] =	stream.linear.scatter [tilespmem:s1], [sflag:$0x4], $0x80, $0x38;
	[tilespmem:$0x16C00] =	vst v63  }
0x65: {  	s1 =	simm.s32 $0xE510;
	s28 =	sadd.s32 $0x20, s29  }
0x66: {  	[hbm4b:s28+s3] =	stream.linear.scatter [tilespmem:s1], [sflag:$0x4], $0x80, $0x38;
	[tilespmem:$0x16C00] =	vst v63  }
0x67: {  	s1 =	simm.s32 $0xE598;
	s28 =	sadd.s32 $0x30, s29  }
0x68: {  	[hbm4b:s28+s3] =	stream.linear.scatter [tilespmem:s1], [sflag:$0x4], $0x80, $0x38;
	[tilespmem:$0x16C00] =	vst v63  }
0x69: {  	s1 =	simm.s32 $0xE620;
	s28 =	sadd.s32 $0x40, s29  }
0x6a: {  	[hbm4b:s28+s3] =	stream.linear.scatter [tilespmem:s1], [sflag:$0x4], $0x80, $0x38;
	[tilespmem:$0x16C00] =	vst v63  }
0x6b: {  	s30 =	simm.s32 $0x2200;
	s1 =	simm.s32 $0xE6A8;
	s28 =	sadd.s32 $0x50, s29  }
0x6c: {  	[hbm4b:s28+s3] =	stream.linear.scatter [tilespmem:s1], [sflag:$0x4], $0x80, $0x38;
	[tilespmem:$0x16C00] =	vst v63  }
0x6d: {  	s31 =	simm.s32 $0xE7B8;
	s1 =	simm.s32 $0xE730;
	s28 =	sadd.s32 $0x60, s29  }
0x6e: {  	[hbm4b:s28+s3] =	stream.linear.scatter [tilespmem:s1], [sflag:$0x4], $0x80, $0x38;
	[tilespmem:$0x16C00] =	vst v63  }
0x6f: {  	s0 =	sadd.s32 $0x70, s29;
	s29 =	sadd.s32 $0x4000, s29;
	s28 =	simm.s32 $0x440  }
.LBB2_6:
0x70: {  	[hbm4b:s0+s3] =	stream.linear.scatter [tilespmem:s31], [sflag:$0x4], $0x80, $0x38;
	[tilespmem:$0x16C00] =	vst v63  }
0x71: {  	s0 =	smov.u32 s28;
	s28 =	smov.u32 s30  }
0x72: {  	s1 =	sadd.s32 $0x1100, s30;
	s28 =	sshra.s32 s28, $0x2;
	s31 =	sadd.s32 $0xE400, s0  }
0x73: {  	[hbm4b:s29+s3] =	stream.linear.scatter [tilespmem:s31], [sflag:$0x4], $0x80, $0x38;
	[tilespmem:$0x16C00] =	vst v63  }
0x74: {  	p1 =	sne.s32 s30, $0x7700;
	s30 =	sadd.s32 $0xE488, s0;
	s31 =	sadd.s32 $0x10, s29  }
0x75: {  	[hbm4b:s31+s3] =	stream.linear.scatter [tilespmem:s30], [sflag:$0x4], $0x80, $0x38;
	[tilespmem:$0x16C00] =	vst v63  }
0x76: {  	s30 =	sadd.s32 $0xE510, s0;
	s31 =	sadd.s32 $0x20, s29  }
0x77: {  	[hbm4b:s31+s3] =	stream.linear.scatter [tilespmem:s30], [sflag:$0x4], $0x80, $0x38;
	[tilespmem:$0x16C00] =	vst v63  }
0x78: {  	s30 =	sadd.s32 $0xE598, s0;
	s31 =	sadd.s32 $0x30, s29  }
0x79: {  	[hbm4b:s31+s3] =	stream.linear.scatter [tilespmem:s30], [sflag:$0x4], $0x80, $0x38;
	[tilespmem:$0x16C00] =	vst v63  }
0x7a: {  	s30 =	sadd.s32 $0xE620, s0;
	s31 =	sadd.s32 $0x40, s29  }
0x7b: {  	[hbm4b:s31+s3] =	stream.linear.scatter [tilespmem:s30], [sflag:$0x4], $0x80, $0x38;
	[tilespmem:$0x16C00] =	vst v63  }
0x7c: {  	s30 =	sadd.s32 $0xE6A8, s0;
	s31 =	sadd.s32 $0x50, s29  }
0x7d: {  	[hbm4b:s31+s3] =	stream.linear.scatter [tilespmem:s30], [sflag:$0x4], $0x80, $0x38;
	[tilespmem:$0x16C00] =	vst v63  }
.Ltmp1:
0x7e: {  	_ = 	snop;
	(pc) =	sbr.rel @p1 .LBB2_6-.Ltmp1, $4  }
0x7f: {  	s30 =	sadd.s32 $0xE730, s0;
	s31 =	sadd.s32 $0x60, s29  }
0x80: {  	[hbm4b:s31+s3] =	stream.linear.scatter [tilespmem:s30], [sflag:$0x4], $0x80, $0x38;
	[tilespmem:$0x16C00] =	vst v63  }
0x81: {  	s31 =	sadd.s32 $0xE7B8, s0  }
0x82: {  	s0 =	sadd.s32 $0x70, s29;
	s29 =	sadd.s32 $0x4000, s29;
	s30 =	smov.u32 s1  }
0x83: {  	[hbm4b:s0+s3] =	stream.linear.scatter [tilespmem:s31], [sflag:$0x4], $0x80, $0x38;
	[tilespmem:$0x16C00] =	vst v63  }
0x84: {  	s1 =	sadd.s32 $0xE400, s28  }
0x85: {  	[hbm4b:s29+s3] =	stream.linear.scatter [tilespmem:s1], [sflag:$0x4], $0x80, $0x38;
	[tilespmem:$0x16C00] =	vst v63  }
0x86: {  	s31 =	sadd.s32 $0xE488, s28;
	s1 =	sadd.s32 $0x10, s29  }
0x87: {  	[hbm4b:s1+s3] =	stream.linear.scatter [tilespmem:s31], [sflag:$0x4], $0x80, $0x38;
	[tilespmem:$0x16C00] =	vst v63  }
0x88: {  	s1 =	sadd.s32 $0xE510, s28;
	s31 =	sadd.s32 $0x20, s29  }
0x89: {  	[hbm4b:s31+s3] =	stream.linear.scatter [tilespmem:s1], [sflag:$0x4], $0x80, $0x38;
	[tilespmem:$0x16C00] =	vst v63  }
0x8a: {  	s1 =	sadd.s32 $0xE598, s28;
	s31 =	sadd.s32 $0x30, s29  }
0x8b: {  	[hbm4b:s31+s3] =	stream.linear.scatter [tilespmem:s1], [sflag:$0x4], $0x80, $0x38;
	[tilespmem:$0x16C00] =	vst v63  }
0x8c: {  	s1 =	sadd.s32 $0xE620, s28;
	s31 =	sadd.s32 $0x40, s29  }
0x8d: {  	[hbm4b:s31+s3] =	stream.linear.scatter [tilespmem:s1], [sflag:$0x4], $0x80, $0x38;
	[tilespmem:$0x16C00] =	vst v63  }
0x8e: {  	s1 =	sadd.s32 $0xE6A8, s28;
	s31 =	sadd.s32 $0x50, s29  }
0x8f: {  	[hbm4b:s31+s3] =	stream.linear.scatter [tilespmem:s1], [sflag:$0x4], $0x80, $0x38;
	[tilespmem:$0x16C00] =	vst v63  }
0x90: {  	s1 =	sadd.s32 $0xE730, s28;
	s31 =	sadd.s32 $0x60, s29  }
0x91: {  	[hbm4b:s31+s3] =	stream.linear.scatter [tilespmem:s1], [sflag:$0x4], $0x80, $0x38;
	[tilespmem:$0x16C00] =	vst v63  }
0x92: {  	s1 =	sadd.s32 $0xE7B8, s28;
	s31 =	sadd.s32 $0x70, s29  }
0x93: {  	[hbm4b:s31+s3] =	stream.linear.scatter [tilespmem:s1], [sflag:$0x4], $0x80, $0x38;
	[tilespmem:$0x16C00] =	vst v63  }
0x94: {  	s1 =	sadd.s32 s26, s7;
	s26 =	simm.s32 $0x10600  }
0x95: {  	[hbm4b:s1+s3] =	stream.linear.scatter [tilespmem:s26], [sflag:$0x4], $0x80, $0x38;
	[tilespmem:$0x16C00] =	vst v63  }
0x96: {  	s31 =	simm.s32 $0x10688;
	s26 =	sadd.s32 $0x10, s1  }
0x97: {  	[hbm4b:s26+s3] =	stream.linear.scatter [tilespmem:s31], [sflag:$0x4], $0x80, $0x38;
	[tilespmem:$0x16C00] =	vst v63  }
0x98: {  	s26 =	simm.s32 $0x10710;
	s31 =	sadd.s32 $0x20, s1  }
0x99: {  	[hbm4b:s31+s3] =	stream.linear.scatter [tilespmem:s26], [sflag:$0x4], $0x80, $0x38;
	[tilespmem:$0x16C00] =	vst v63  }
0x9a: {  	s26 =	simm.s32 $0x10798;
	s31 =	sadd.s32 $0x30, s1  }
0x9b: {  	[hbm4b:s31+s3] =	stream.linear.scatter [tilespmem:s26], [sflag:$0x4], $0x80, $0x38;
	[tilespmem:$0x16C00] =	vst v63  }
0x9c: {  	s26 =	simm.s32 $0x10820;
	s31 =	sadd.s32 $0x40, s1  }
0x9d: {  	[hbm4b:s31+s3] =	stream.linear.scatter [tilespmem:s26], [sflag:$0x4], $0x80, $0x38;
	[tilespmem:$0x16C00] =	vst v63  }
0x9e: {  	s30 =	simm.s32 $0x109B8;
	s26 =	simm.s32 $0x108A8;
	s31 =	sadd.s32 $0x50, s1  }
0x9f: {  	[hbm4b:s31+s3] =	stream.linear.scatter [tilespmem:s26], [sflag:$0x4], $0x80, $0x38;
	[tilespmem:$0x16C00] =	vst v63  }
0xa0: {  	s29 =	simm.s32 $0x2200;
	s26 =	simm.s32 $0x10930;
	s31 =	sadd.s32 $0x60, s1  }
0xa1: {  	[hbm4b:s31+s3] =	stream.linear.scatter [tilespmem:s26], [sflag:$0x4], $0x80, $0x38;
	[tilespmem:$0x16C00] =	vst v63  }
0xa2: {  	s0 =	sadd.s32 $0x70, s1;
	s28 =	sadd.s32 $0x4000, s1;
	s26 =	simm.s32 $0x440  }
.LBB2_8:
0xa3: {  	[hbm4b:s0+s3] =	stream.linear.scatter [tilespmem:s30], [sflag:$0x4], $0x80, $0x38;
	[tilespmem:$0x16C00] =	vst v63  }
0xa4: {  	s0 =	smov.u32 s26;
	s1 =	smov.u32 s29  }
0xa5: {  	s26 =	sshra.s32 s1, $0x2;
	s1 =	sadd.s32 $0x1100, s29;
	s30 =	sadd.s32 $0x10600, s0  }
0xa6: {  	[hbm4b:s28+s3] =	stream.linear.scatter [tilespmem:s30], [sflag:$0x4], $0x80, $0x38;
	[tilespmem:$0x16C00] =	vst v63  }
0xa7: {  	p1 =	sne.s32 s29, $0x7700;
	s29 =	sadd.s32 $0x10688, s0;
	s30 =	sadd.s32 $0x10, s28  }
0xa8: {  	[hbm4b:s30+s3] =	stream.linear.scatter [tilespmem:s29], [sflag:$0x4], $0x80, $0x38;
	[tilespmem:$0x16C00] =	vst v63  }
0xa9: {  	s29 =	sadd.s32 $0x10710, s0;
	s30 =	sadd.s32 $0x20, s28  }
0xaa: {  	[hbm4b:s30+s3] =	stream.linear.scatter [tilespmem:s29], [sflag:$0x4], $0x80, $0x38;
	[tilespmem:$0x16C00] =	vst v63  }
0xab: {  	s29 =	sadd.s32 $0x10798, s0;
	s30 =	sadd.s32 $0x30, s28  }
0xac: {  	[hbm4b:s30+s3] =	stream.linear.scatter [tilespmem:s29], [sflag:$0x4], $0x80, $0x38;
	[tilespmem:$0x16C00] =	vst v63  }
0xad: {  	s29 =	sadd.s32 $0x10820, s0;
	s30 =	sadd.s32 $0x40, s28  }
0xae: {  	[hbm4b:s30+s3] =	stream.linear.scatter [tilespmem:s29], [sflag:$0x4], $0x80, $0x38;
	[tilespmem:$0x16C00] =	vst v63  }
0xaf: {  	s29 =	sadd.s32 $0x108A8, s0;
	s30 =	sadd.s32 $0x50, s28  }
0xb0: {  	[hbm4b:s30+s3] =	stream.linear.scatter [tilespmem:s29], [sflag:$0x4], $0x80, $0x38;
	[tilespmem:$0x16C00] =	vst v63  }
.Ltmp2:
0xb1: {  	_ = 	snop;
	(pc) =	sbr.rel @p1 .LBB2_8-.Ltmp2, $4  }
0xb2: {  	s29 =	sadd.s32 $0x10930, s0;
	s30 =	sadd.s32 $0x60, s28  }
0xb3: {  	[hbm4b:s30+s3] =	stream.linear.scatter [tilespmem:s29], [sflag:$0x4], $0x80, $0x38;
	[tilespmem:$0x16C00] =	vst v63  }
0xb4: {  	s30 =	sadd.s32 $0x109B8, s0  }
0xb5: {  	s0 =	sadd.s32 $0x70, s28;
	s28 =	sadd.s32 $0x4000, s28;
	s29 =	smov.u32 s1  }
0xb6: {  	[hbm4b:s0+s3] =	stream.linear.scatter [tilespmem:s30], [sflag:$0x4], $0x80, $0x38;
	[tilespmem:$0x16C00] =	vst v63  }
0xb7: {  	s30 =	sadd.s32 $0x10600, s26  }
0xb8: {  	[hbm4b:s28+s3] =	stream.linear.scatter [tilespmem:s30], [sflag:$0x4], $0x80, $0x38;
	[tilespmem:$0x16C00] =	vst v63  }
0xb9: {  	s31 =	sadd.s32 $0x10688, s26;
	s1 =	sadd.s32 $0x10, s28  }
0xba: {  	[hbm4b:s1+s3] =	stream.linear.scatter [tilespmem:s31], [sflag:$0x4], $0x80, $0x38;
	[tilespmem:$0x16C00] =	vst v63  }
0xbb: {  	s29 =	sadd.s32 $0x20, s28;
	s1 =	sadd.s32 $0x10710, s26  }
0xbc: {  	[hbm4b:s29+s3] =	stream.linear.scatter [tilespmem:s1], [sflag:$0x4], $0x80, $0x38;
	[tilespmem:$0x16C00] =	vst v63  }
0xbd: {  	s30 =	sadd.s32 $0x10798, s26;
	s31 =	sadd.s32 $0x30, s28  }
0xbe: {  	[hbm4b:s31+s3] =	stream.linear.scatter [tilespmem:s30], [sflag:$0x4], $0x80, $0x38;
	[tilespmem:$0x16C00] =	vst v63  }
0xbf: {  	s1 =	sadd.s32 $0x10820, s26;
	s29 =	sadd.s32 $0x40, s28  }
0xc0: {  	[hbm4b:s29+s3] =	stream.linear.scatter [tilespmem:s1], [sflag:$0x4], $0x80, $0x38;
	[tilespmem:$0x16C00] =	vst v63  }
0xc1: {  	p1 =	sne.s32 s24, $0x31;
	s30 =	sadd.s32 $0x108A8, s26;
	s31 =	sadd.s32 $0x50, s28  }
0xc2: {  	[hbm4b:s31+s3] =	stream.linear.scatter [tilespmem:s30], [sflag:$0x4], $0x80, $0x38;
	[tilespmem:$0x16C00] =	vst v63  }
.Ltmp3:
0xc3: {  	_ = 	snop;
	(pc) =	sbr.rel @p1 .LBB2_11-.Ltmp3, $4  }
0xc4: {  	s1 =	sadd.s32 $0x10930, s26;
	s29 =	sadd.s32 $0x60, s28  }
0xc5: {  	[hbm4b:s29+s3] =	stream.linear.scatter [tilespmem:s1], [sflag:$0x4], $0x80, $0x38;
	[tilespmem:$0x16C00] =	vst v63  }
0xc6: {  	s30 =	sadd.s32 $0x109B8, s26;
	s31 =	sadd.s32 $0x70, s28  }
0xc7: {  	[hbm4b:s31+s3] =	stream.linear.scatter [tilespmem:s30], [sflag:$0x4], $0x80, $0x38;
	[tilespmem:$0x16C00] =	vst v63  }
.Ltmp4:
0xc8: {  	(pc) =	sbr.rel .LBB2_12-.Ltmp4, $4  }
0xc9: {  	_ = 	snop  }
0xca: {  	_ =	swait.ge [sflag:s19], $0x4000  }
0xcb: {  	[sflag:s19] =	ssyncset.done $0x0  }
0xcc: {  	[sflag:s19] =	ssyncadd.s32 $0xFFFFC000  }
.LBB2_11:
.Ltmp5:
0xcd: {  	s0 =	sadd.s32 $0x200, s25;
	(pc) =	sbr.rel @p0 .LBB2_13-.Ltmp5, $4  }
0xce: {  	[tilespmem:s15], [sflag:$0x2] =	stream.indirect.gather [hbm4b:s4+s14], $0x40, s0, s14, $0xb8;
	[tilespmem:$0x16C00] =	vst v63  }
0xcf: {  	_ =	swait.ge [sflag:s19], $0x4000  }
0xd0: {  	[sflag:s19] =	ssyncset.done $0x0  }
0xd1: {  	[sflag:s19] =	ssyncadd.s32 $0xFFFFC000  }
.LBB2_12:
0xd2: {  	_ =	swait.ge [sflag:s20], $0x2000  }
0xd3: {  	[sflag:s20] =	ssyncset.done $0x0  }
0xd4: {  	[sflag:s20] =	ssyncadd.s32 $0xFFFFE000  }
0xd5: {  	_ =	swait.ge [sflag:s20], $0x2000  }
0xd6: {  	[sflag:s20] =	ssyncset.done $0x0  }
0xd7: {  	[sflag:s20] =	ssyncadd.s32 $0xFFFFE000  }
.LBB2_13:
0xd8: {  	s0 =	simm.s32 $0x0  }
0xd9: {  	v4 =	vmov s0  }
0xda: {  	v4 =	vmul.u32 $0x2200, v4;
	_ =	sdelay $0x1  }
0xdb: {  	s25 =	simm.s32 $0x1;
	s1 =	simm.s32 $0x0;
	v14 =	vbroadcast v4, $0x0  }
0xdc: {  	s26 =	simm.s32 $0x0;
	v5 =	vmov s1;
	v4 =	vmov s25  }
0xdd: {  	v10 =	vmov s26;
	v15 =	vand.u32 $0x78, v4;
	v6 =	vadd.s32 v0, v14  }
0xde: {  	v7 =	vand.u32 $0x78, v5;
	s25 =	simm.s32 $0xA440;
	v16 =	vand.u32 $0x7, v4;
	v4 =	vadd.s32 v15, v6  }
0xdf: {  	v5 =	vand.u32 $0x6, v5;
	v8 =	vld [tilespmem:s25+$0x0];
	v6 =	vadd.s32 v7, v6;
	v4 =	vor.u32 v16, v4  }
0xe0: {  	v10 =	vmul.u32 $0x2200, v10;
	v9 =	vld [tilespmem:s25+$0xFFFFFFC0];
	v6 =	vor.u32 v5, v6;
	_ =	sdelay $0x1  }
0xe1: {  	v12 =	vbroadcast v10, $0x0  }
0xe2: {  	v11 =	vadd.s32 v1, v14  }
0xe3: {  	v19 =	vadd.s32 v0, v12;
	[tilespmem:v4+s21+$0x0] =	vst.idx.msk $0xffff, v8;
	v4 =	vadd.s32 v15, v11  }
0xe4: {  	s1 =	simm.s32 $0x2;
	s26 =	simm.s32 $0x3;
	v8 =	vadd.s32 v7, v11;
	[tilespmem:v6+s21+$0x0] =	vst.idx.msk $0xffff, v9;
	v9 =	vld [tilespmem:s25+$0x10];
	v10 =	vor.u32 v16, v4  }
0xe5: {  	v6 =	vmov s1;
	v11 =	vmov s26;
	v17 =	vld [tilespmem:s25+$0xFFFFFFD0];
	v18 =	vor.u32 v5, v8  }
0xe6: {  	v21 =	vadd.s32 v2, v14;
	v4 =	vand.u32 $0x6, v6;
	v13 =	vand.u32 $0x78, v11  }
0xe7: {  	s26 =	simm.s32 $0xA4C0;
	v6 =	vand.u32 $0x78, v6;
	v8 =	vand.u32 $0x7, v11;
	v11 =	vadd.s32 v13, v19  }
0xe8: {  	v25 =	vadd.s32 v1, v12;
	v20 =	vld [tilespmem:s26+$0x0];
	v19 =	vadd.s32 v6, v19;
	v11 =	vor.u32 v8, v11  }
0xe9: {  	v22 =	vld [tilespmem:s26+$0xFFFFFFC0];
	v19 =	vor.u32 v4, v19;
	[tilespmem:v10+s21+$0x0] =	vst.idx.msk $0xffff, v9;
	v9 =	vadd.s32 v15, v21  }
0xea: {  	s1 =	simm.s32 $0x0;
	v10 =	vadd.s32 v7, v21;
	[tilespmem:v18+s21+$0x0] =	vst.idx.msk $0xffff, v17;
	v18 =	vld [tilespmem:s25+$0x20];
	v21 =	vor.u32 v16, v9  }
0xeb: {  	s0 =	simm.s32 $0x4;
	v26 =	vadd.s32 v6, v25;
	v17 =	vmov s1  }
0xec: {  	v9 =	vmov s0;
	v23 =	vor.u32 v5, v10;
	v24 =	vld [tilespmem:s25+$0xFFFFFFE0];
	v17 =	vmul.u32 $0x2200, v17  }
0xed: {  	v26 =	vor.u32 v4, v26;
	v10 =	vand.u32 $0x6, v9;
	[tilespmem:v11+s21+$0x0] =	vst.idx.msk $0xffff, v20;
	v20 =	vadd.s32 v13, v25  }
0xee: {  	s1 =	simm.s32 $0x5;
	[tilespmem:v19+s21+$0x0] =	vst.idx.msk $0xffff, v22;
	v11 =	vbroadcast v17, $0x0;
	v25 =	vld [tilespmem:s26+$0x10];
	v27 =	vor.u32 v8, v20;
	v17 =	vadd.s32 v3, v14  }
0xef: {  	s28 =	simm.s32 $0xA540;
	v9 =	vand.u32 $0x78, v9;
	v14 =	vmov s1;
	v28 =	vld [tilespmem:s26+$0xFFFFFFD0];
	[tilespmem:v21+s21+$0x0] =	vst.idx.msk $0xffff, v18;
	v18 =	vadd.s32 v15, v17  }
0xf0: {  	v19 =	vadd.s32 v0, v11;
	v15 =	vand.u32 $0x78, v14;
	v21 =	vld [tilespmem:s28+$0x0];
	v22 =	vor.u32 v16, v18  }
0xf1: {  	[tilespmem:v23+s21+$0x0] =	vst.idx.msk $0xffff, v24;
	v20 =	vld [tilespmem:s25+$0x30];
	v18 =	vadd.s32 v9, v19;
	v16 =	vand.u32 $0x7, v14;
	v23 =	vadd.s32 v15, v19  }
0xf2: {  	v24 =	vld [tilespmem:s28+$0xFFFFFFC0];
	v19 =	vor.u32 v10, v18;
	v23 =	vor.u32 v16, v23;
	v18 =	vadd.s32 v2, v12  }
0xf3: {  	s29 =	simm.s32 $0x6;
	v14 =	vld [tilespmem:s25+$0xFFFFFFF0];
	[tilespmem:v27+s21+$0x0] =	vst.idx.msk $0xffff, v25;
	v29 =	vadd.s32 v6, v18;
	v30 =	vadd.s32 v13, v18  }
0xf4: {  	s31 =	simm.s32 $0x0;
	s30 =	simm.s32 $0x8;
	s25 =	sadd.s32 $0x1, s24;
	v27 =	vmov s29;
	[tilespmem:v26+s21+$0x0] =	vst.idx.msk $0xffff, v28;
	v25 =	vld [tilespmem:s26+$0x20];
	v18 =	vor.u32 v4, v29;
	v26 =	vor.u32 v8, v30  }
.LBB2_14:
0xf5: {  	v28 =	vmov s31;
	v29 =	vand.u32 $0x6, v27;
	v17 =	vadd.s32 v7, v17  }
0xf6: {  	p0 =	slt.u32 s30, $0xFE;
	v30 =	vld [tilespmem:s26+$0xFFFFFFE0];
	[tilespmem:v22+s21+$0x0] =	vst.idx.msk $0xffff, v20;
	v7 =	vmovc v6;
	v6 =	vmovc v9;
	v31 =	vmov v15;
	v22 =	vmov v8;
	v8 =	vmov v16  }
0xf7: {  	v16 =	vadd.s32 v1, v11;
	v15 =	vmul.u32 $0x2200, v28;
	v28 =	vor.u32 v5, v17;
	v5 =	vmovc v4;
	v4 =	vmovc v10  }
0xf8: {  	v9 =	vand.u32 $0x78, v27;
	v20 =	vadd.s32 v6, v16;
	v16 =	vadd.s32 v31, v16;
	[tilespmem:v23+s21+$0x0] =	vst.idx.msk $0xffff, v21  }
0xf9: {  	s0 =	sadd.s32 $0x1, s29;
	s29 =	smov.u32 s30;
	v17 =	vadd.s32 v3, v12;
	v33 =	vor.u32 v8, v16;
	v27 =	vbroadcast v15, $0x0;
	[tilespmem:v19+s21+$0x0] =	vst.idx.msk $0xffff, v24;
	v32 =	vld [tilespmem:s28+$0x10]  }
0xfa: {  	v12 =	vmov s0;
	v10 =	vmovc v29;
	v35 =	vor.u32 v4, v20;
	v13 =	vadd.s32 v13, v17;
	v34 =	vld [tilespmem:s28+$0xFFFFFFD0];
	[tilespmem:v26+s21+$0x0] =	vst.idx.msk $0xffff, v25  }
.Ltmp6:
0xfb: {  	v15 =	vand.u32 $0x78, v12;
	v22 =	vor.u32 v22, v13;
	v19 =	vadd.s32 v0, v27;
	[tilespmem:v18+s21+$0x0] =	vst.idx.msk $0xffff, v30;
	v20 =	vld [tilespmem:s26+$0x30];
	(pc) =	sbr.rel @p0 .LBB2_14-.Ltmp6, $4  }
0xfc: {  	v16 =	vand.u32 $0x7, v12;
	v13 =	vadd.s32 v9, v19;
	v18 =	vadd.s32 v15, v19;
	[tilespmem:v28+s21+$0x0] =	vst.idx.msk $0xffff, v14;
	v14 =	vld [tilespmem:s26+$0xFFFFFFF0];
	s26 =	smov.u32 s28;
	s28 =	sadd.s32 $0x80, s28  }
0xfd: {  	v29 =	vadd.s32 v2, v11;
	v12 =	vmovc v11;
	v19 =	vor.u32 v10, v13;
	v21 =	vld [tilespmem:s28+$0x0];
	v23 =	vor.u32 v16, v18  }
0xfe: {  	v11 =	vmov v27;
	v28 =	vadd.s32 v31, v29;
	v18 =	vadd.s32 v6, v29;
	v24 =	vld [tilespmem:s28+$0xFFFFFFC0];
	[tilespmem:v33+s21+$0x0] =	vst.idx.msk $0xffff, v32  }
0xff: {  	s30 =	sadd.s32 $0x2, s30;
	s31 =	sshrl.u32 s29, $0x7;
	v27 =	vmov s29;
	v26 =	vor.u32 v8, v28;
	v18 =	vor.u32 v4, v18;
	[tilespmem:v35+s21+$0x0] =	vst.idx.msk $0xffff, v34;
	v25 =	vld [tilespmem:s26+$0x20];
	v13 =	vmovc v31  }
0x100: {  	v28 =	vmov s31  }
0x101: {  	v28 =	vmul.u32 $0x2200, v28;
	_ =	sdelay $0x1  }
0x102: {  	s0 =	sadd.s32 $0x1, s29;
	v28 =	vbroadcast v28, $0x0  }
0x103: {  	v29 =	vmov s0  }
0x104: {  	v31 =	vand.u32 $0x78, v29;
	v30 =	vadd.s32 v0, v28  }
0x105: {  	v32 =	vand.u32 $0x78, v27;
	s29 =	sadd.s32 $0x80, s28;
	v29 =	vand.u32 $0x7, v29;
	v33 =	vadd.s32 v31, v30  }
0x106: {  	v27 =	vand.u32 $0x6, v27;
	v34 =	vld [tilespmem:s29+$0x0];
	v30 =	vadd.s32 v32, v30;
	v33 =	vor.u32 v29, v33  }
0x107: {  	[tilespmem:v22+s21+$0x0] =	vst.idx.msk $0xffff, v20;
	v35 =	vld [tilespmem:s29+$0xFFFFFFC0];
	v63 =	vor.u32 v27, v30  }
0x108: {  	v62 =	vadd.s32 v1, v11;
	v7 =	vadd.s32 v7, v17;
	[tilespmem:v23+s21+$0x0] =	vst.idx.msk $0xffff, v21  }
0x109: {  	v36 =	vadd.s32 v15, v62;
	v20 =	vadd.s32 v9, v62;
	[tilespmem:v19+s21+$0x0] =	vst.idx.msk $0xffff, v24  }
0x10a: {  	v21 =	vor.u32 v16, v36;
	v37 =	vld [tilespmem:s28+$0x10];
	[tilespmem:v26+s21+$0x0] =	vst.idx.msk $0xffff, v25;
	v39 =	vadd.s32 v1, v28  }
0x10b: {  	v20 =	vor.u32 v10, v20;
	v38 =	vld [tilespmem:s28+$0xFFFFFFD0];
	v41 =	vadd.s32 v31, v39;
	[tilespmem:v33+s21+$0x0] =	vst.idx.msk $0xffff, v34  }
0x10c: {  	v42 =	vadd.s32 v32, v39;
	v25 =	vor.u32 v29, v41;
	[tilespmem:v63+s21+$0x0] =	vst.idx.msk $0xffff, v35;
	v43 =	vld [tilespmem:s29+$0x10]  }
0x10d: {  	v44 =	vadd.s32 v2, v11;
	v46 =	vadd.s32 v3, v12;
	v17 =	vor.u32 v27, v42;
	v45 =	vld [tilespmem:s29+$0xFFFFFFD0]  }
0x10e: {  	v57 =	vadd.s32 v3, v11;
	v5 =	vor.u32 v5, v7;
	v47 =	vadd.s32 v15, v44  }
0x10f: {  	v40 =	vld [tilespmem:s26+$0xFFFFFFE0];
	v13 =	vadd.s32 v13, v46;
	v12 =	vor.u32 v16, v47;
	[tilespmem:v21+s21+$0x0] =	vst.idx.msk $0xffff, v37  }
0x110: {  	v19 =	vadd.s32 v9, v44;
	v51 =	vadd.s32 v2, v28;
	[tilespmem:v20+s21+$0x0] =	vst.idx.msk $0xffff, v38;
	v48 =	vld [tilespmem:s28+$0x20]  }
0x111: {  	v49 =	vor.u32 v10, v19;
	v52 =	vadd.s32 v31, v51;
	v50 =	vld [tilespmem:s28+$0xFFFFFFE0];
	[tilespmem:v25+s21+$0x0] =	vst.idx.msk $0xffff, v43  }
0x112: {  	v22 =	vadd.s32 v32, v51;
	v54 =	vor.u32 v29, v52;
	[tilespmem:v17+s21+$0x0] =	vst.idx.msk $0xffff, v45;
	v53 =	vld [tilespmem:s29+$0x20]  }
0x113: {  	v6 =	vadd.s32 v6, v46;
	[tilespmem:v5+s21+$0x0] =	vst.idx.msk $0xffff, v14;
	v5 =	vor.u32 v27, v22;
	v55 =	vld [tilespmem:s29+$0xFFFFFFE0]  }
0x114: {  	v59 =	vadd.s32 v15, v57;
	v8 =	vor.u32 v8, v13;
	[tilespmem:v18+s21+$0x0] =	vst.idx.msk $0xffff, v40;
	v56 =	vld [tilespmem:s26+$0x30]  }
0x115: {  	v7 =	vadd.s32 v9, v57;
	v4 =	vor.u32 v4, v6;
	v58 =	vld [tilespmem:s26+$0xFFFFFFF0];
	[tilespmem:v12+s21+$0x0] =	vst.idx.msk $0xffff, v48  }
0x116: {  	v6 =	vor.u32 v16, v59;
	v60 =	vadd.s32 v3, v28;
	[tilespmem:v49+s21+$0x0] =	vst.idx.msk $0xffff, v50;
	v12 =	vld [tilespmem:s28+$0x30]  }
0x117: {  	v7 =	vor.u32 v10, v7;
	v62 =	vadd.s32 v31, v60;
	v61 =	vld [tilespmem:s28+$0xFFFFFFF0];
	[tilespmem:v54+s21+$0x0] =	vst.idx.msk $0xffff, v53  }
0x118: {  	v9 =	vadd.s32 v32, v60;
	v10 =	vor.u32 v29, v62;
	[tilespmem:v5+s21+$0x0] =	vst.idx.msk $0xffff, v55;
	v5 =	vld [tilespmem:s29+$0x30]  }
0x119: {  	v9 =	vor.u32 v27, v9;
	[tilespmem:v8+s21+$0x0] =	vst.idx.msk $0xffff, v56;
	v63 =	vld [tilespmem:s29+$0xFFFFFFF0]  }
0x11a: {  	[tilespmem:v4+s21+$0x0] =	vst.idx.msk $0xffff, v58  }
0x11b: {  	s24 =	sshll.u32 s24, $0x14;
	[tilespmem:v6+s21+$0x0] =	vst.idx.msk $0xffff, v12  }
0x11c: {  	s26 =	sor.u32 s8, s24;
	[tilespmem:v7+s21+$0x0] =	vst.idx.msk $0xffff, v61  }
0x11d: {  	s0 =	sshrl.u32 s26, $0x3;
	[tilespmem:v10+s21+$0x0] =	vst.idx.msk $0xffff, v5  }
0x11e: {  	s31 =	simm.s32 $0x12800;
	s1 =	sadd.s32 s2, s0;
	[tilespmem:v9+s21+$0x0] =	vst.idx.msk $0xffff, v63  }
0x11f: {  	[hbm4b:s1+s3] =	stream.linear.scatter [tilespmem:s31], [sflag:$0x5], $0x80, $0x38;
	[tilespmem:$0x16C00] =	vst v63  }
0x120: {  	s26 =	simm.s32 $0x12888;
	s31 =	sadd.s32 $0x10, s1  }
0x121: {  	[hbm4b:s31+s3] =	stream.linear.scatter [tilespmem:s26], [sflag:$0x5], $0x80, $0x38;
	[tilespmem:$0x16C00] =	vst v63  }
0x122: {  	s26 =	simm.s32 $0x12910;
	s31 =	sadd.s32 $0x20, s1  }
0x123: {  	[hbm4b:s31+s3] =	stream.linear.scatter [tilespmem:s26], [sflag:$0x5], $0x80, $0x38;
	[tilespmem:$0x16C00] =	vst v63  }
0x124: {  	s26 =	simm.s32 $0x12998;
	s31 =	sadd.s32 $0x30, s1  }
0x125: {  	[hbm4b:s31+s3] =	stream.linear.scatter [tilespmem:s26], [sflag:$0x5], $0x80, $0x38;
	[tilespmem:$0x16C00] =	vst v63  }
0x126: {  	s26 =	simm.s32 $0x12A20;
	s31 =	sadd.s32 $0x40, s1  }
0x127: {  	[hbm4b:s31+s3] =	stream.linear.scatter [tilespmem:s26], [sflag:$0x5], $0x80, $0x38;
	[tilespmem:$0x16C00] =	vst v63  }
0x128: {  	s30 =	simm.s32 $0x12BB8;
	s26 =	simm.s32 $0x12AA8;
	s31 =	sadd.s32 $0x50, s1  }
0x129: {  	[hbm4b:s31+s3] =	stream.linear.scatter [tilespmem:s26], [sflag:$0x5], $0x80, $0x38;
	[tilespmem:$0x16C00] =	vst v63  }
0x12a: {  	s0 =	sadd.s32 $0x70, s1;
	s26 =	simm.s32 $0x12B30;
	s31 =	sadd.s32 $0x60, s1  }
0x12b: {  	[hbm4b:s31+s3] =	stream.linear.scatter [tilespmem:s26], [sflag:$0x5], $0x80, $0x38;
	[tilespmem:$0x16C00] =	vst v63  }
0x12c: {  	s28 =	sadd.s32 $0x4000, s1;
	s29 =	simm.s32 $0x2200;
	s26 =	simm.s32 $0x440  }
.LBB2_16:
0x12d: {  	[hbm4b:s0+s3] =	stream.linear.scatter [tilespmem:s30], [sflag:$0x5], $0x80, $0x38;
	[tilespmem:$0x16C00] =	vst v63  }
0x12e: {  	s0 =	smov.u32 s26;
	s1 =	smov.u32 s29  }
0x12f: {  	s26 =	sshra.s32 s1, $0x2;
	s1 =	sadd.s32 $0x1100, s29;
	s30 =	sadd.s32 $0x12800, s0  }
0x130: {  	[hbm4b:s28+s3] =	stream.linear.scatter [tilespmem:s30], [sflag:$0x5], $0x80, $0x38;
	[tilespmem:$0x16C00] =	vst v63  }
0x131: {  	p0 =	sne.s32 s29, $0x7700;
	s29 =	sadd.s32 $0x12888, s0;
	s30 =	sadd.s32 $0x10, s28  }
0x132: {  	[hbm4b:s30+s3] =	stream.linear.scatter [tilespmem:s29], [sflag:$0x5], $0x80, $0x38;
	[tilespmem:$0x16C00] =	vst v63  }
0x133: {  	s29 =	sadd.s32 $0x12910, s0;
	s30 =	sadd.s32 $0x20, s28  }
0x134: {  	[hbm4b:s30+s3] =	stream.linear.scatter [tilespmem:s29], [sflag:$0x5], $0x80, $0x38;
	[tilespmem:$0x16C00] =	vst v63  }
0x135: {  	s29 =	sadd.s32 $0x12998, s0;
	s30 =	sadd.s32 $0x30, s28  }
0x136: {  	[hbm4b:s30+s3] =	stream.linear.scatter [tilespmem:s29], [sflag:$0x5], $0x80, $0x38;
	[tilespmem:$0x16C00] =	vst v63  }
0x137: {  	s29 =	sadd.s32 $0x12A20, s0;
	s30 =	sadd.s32 $0x40, s28  }
0x138: {  	[hbm4b:s30+s3] =	stream.linear.scatter [tilespmem:s29], [sflag:$0x5], $0x80, $0x38;
	[tilespmem:$0x16C00] =	vst v63  }
0x139: {  	s29 =	sadd.s32 $0x12AA8, s0;
	s30 =	sadd.s32 $0x50, s28  }
0x13a: {  	[hbm4b:s30+s3] =	stream.linear.scatter [tilespmem:s29], [sflag:$0x5], $0x80, $0x38;
	[tilespmem:$0x16C00] =	vst v63  }
.Ltmp7:
0x13b: {  	_ = 	snop;
	(pc) =	sbr.rel @p0 .LBB2_16-.Ltmp7, $4  }
0x13c: {  	s29 =	sadd.s32 $0x12B30, s0;
	s30 =	sadd.s32 $0x60, s28  }
0x13d: {  	[hbm4b:s30+s3] =	stream.linear.scatter [tilespmem:s29], [sflag:$0x5], $0x80, $0x38;
	[tilespmem:$0x16C00] =	vst v63  }
0x13e: {  	s30 =	sadd.s32 $0x12BB8, s0  }
0x13f: {  	s0 =	sadd.s32 $0x70, s28;
	s28 =	sadd.s32 $0x4000, s28;
	s29 =	smov.u32 s1  }
0x140: {  	[hbm4b:s0+s3] =	stream.linear.scatter [tilespmem:s30], [sflag:$0x5], $0x80, $0x38;
	[tilespmem:$0x16C00] =	vst v63  }
0x141: {  	s30 =	sadd.s32 $0x12800, s26  }
0x142: {  	[hbm4b:s28+s3] =	stream.linear.scatter [tilespmem:s30], [sflag:$0x5], $0x80, $0x38;
	[tilespmem:$0x16C00] =	vst v63  }
0x143: {  	s31 =	sadd.s32 $0x12888, s26;
	s1 =	sadd.s32 $0x10, s28  }
0x144: {  	[hbm4b:s1+s3] =	stream.linear.scatter [tilespmem:s31], [sflag:$0x5], $0x80, $0x38;
	[tilespmem:$0x16C00] =	vst v63  }
0x145: {  	s30 =	sadd.s32 $0x12910, s26;
	s31 =	sadd.s32 $0x20, s28  }
0x146: {  	[hbm4b:s31+s3] =	stream.linear.scatter [tilespmem:s30], [sflag:$0x5], $0x80, $0x38;
	[tilespmem:$0x16C00] =	vst v63  }
0x147: {  	s30 =	sadd.s32 $0x12998, s26;
	s31 =	sadd.s32 $0x30, s28  }
0x148: {  	[hbm4b:s31+s3] =	stream.linear.scatter [tilespmem:s30], [sflag:$0x5], $0x80, $0x38;
	[tilespmem:$0x16C00] =	vst v63  }
0x149: {  	s30 =	sadd.s32 $0x12A20, s26;
	s31 =	sadd.s32 $0x40, s28  }
0x14a: {  	[hbm4b:s31+s3] =	stream.linear.scatter [tilespmem:s30], [sflag:$0x5], $0x80, $0x38;
	[tilespmem:$0x16C00] =	vst v63  }
0x14b: {  	s30 =	sadd.s32 $0x12AA8, s26;
	s31 =	sadd.s32 $0x50, s28  }
0x14c: {  	[hbm4b:s31+s3] =	stream.linear.scatter [tilespmem:s30], [sflag:$0x5], $0x80, $0x38;
	[tilespmem:$0x16C00] =	vst v63  }
0x14d: {  	s30 =	sadd.s32 $0x12B30, s26;
	s31 =	sadd.s32 $0x60, s28  }
0x14e: {  	[hbm4b:s31+s3] =	stream.linear.scatter [tilespmem:s30], [sflag:$0x5], $0x80, $0x38;
	[tilespmem:$0x16C00] =	vst v63  }
0x14f: {  	s30 =	sor.u32 s9, s24  }
0x150: {  	s1 =	sadd.s32 $0x12BB8, s26;
	s26 =	sadd.s32 $0x70, s28;
	s0 =	sshrl.u32 s30, $0x3  }
0x151: {  	[hbm4b:s26+s3] =	stream.linear.scatter [tilespmem:s1], [sflag:$0x5], $0x80, $0x38;
	[tilespmem:$0x16C00] =	vst v63  }
0x152: {  	s31 =	simm.s32 $0x14A00;
	s1 =	sadd.s32 s2, s0  }
0x153: {  	[hbm4b:s1+s3] =	stream.linear.scatter [tilespmem:s31], [sflag:$0x5], $0x80, $0x38;
	[tilespmem:$0x16C00] =	vst v63  }
0x154: {  	s24 =	simm.s32 $0x14A88;
	s26 =	sadd.s32 $0x10, s1  }
0x155: {  	[hbm4b:s26+s3] =	stream.linear.scatter [tilespmem:s24], [sflag:$0x5], $0x80, $0x38;
	[tilespmem:$0x16C00] =	vst v63  }
0x156: {  	s29 =	simm.s32 $0x14DB8;
	s30 =	simm.s32 $0x14B10;
	s31 =	sadd.s32 $0x20, s1  }
0x157: {  	[hbm4b:s31+s3] =	stream.linear.scatter [tilespmem:s30], [sflag:$0x5], $0x80, $0x38;
	[tilespmem:$0x16C00] =	vst v63  }
0x158: {  	s28 =	simm.s32 $0x2200;
	s24 =	simm.s32 $0x14B98;
	s26 =	sadd.s32 $0x30, s1  }
0x159: {  	[hbm4b:s26+s3] =	stream.linear.scatter [tilespmem:s24], [sflag:$0x5], $0x80, $0x38;
	[tilespmem:$0x16C00] =	vst v63  }
0x15a: {  	s0 =	sadd.s32 $0x70, s1;
	s30 =	simm.s32 $0x14C20;
	s31 =	sadd.s32 $0x40, s1  }
0x15b: {  	[hbm4b:s31+s3] =	stream.linear.scatter [tilespmem:s30], [sflag:$0x5], $0x80, $0x38;
	[tilespmem:$0x16C00] =	vst v63  }
0x15c: {  	s24 =	simm.s32 $0x14CA8;
	s26 =	sadd.s32 $0x50, s1;
	s30 =	simm.s32 $0x14D30  }
0x15d: {  	[hbm4b:s26+s3] =	stream.linear.scatter [tilespmem:s24], [sflag:$0x5], $0x80, $0x38;
	[tilespmem:$0x16C00] =	vst v63  }
0x15e: {  	s31 =	sadd.s32 $0x60, s1;
	s24 =	simm.s32 $0x440;
	s26 =	sadd.s32 $0x4000, s1  }
0x15f: {  	[hbm4b:s31+s3] =	stream.linear.scatter [tilespmem:s30], [sflag:$0x5], $0x80, $0x38;
	[tilespmem:$0x16C00] =	vst v63  }
.LBB2_18:
0x160: {  	[hbm4b:s0+s3] =	stream.linear.scatter [tilespmem:s29], [sflag:$0x5], $0x80, $0x38;
	[tilespmem:$0x16C00] =	vst v63  }
0x161: {  	s0 =	smov.u32 s24;
	s1 =	smov.u32 s28  }
0x162: {  	s24 =	sshra.s32 s1, $0x2;
	s1 =	sadd.s32 $0x1100, s28;
	s29 =	sadd.s32 $0x14A00, s0  }
0x163: {  	[hbm4b:s26+s3] =	stream.linear.scatter [tilespmem:s29], [sflag:$0x5], $0x80, $0x38;
	[tilespmem:$0x16C00] =	vst v63  }
0x164: {  	p0 =	seq.s32 s28, $0x7700;
	s28 =	sadd.s32 $0x14A88, s0;
	s29 =	sadd.s32 $0x10, s26  }
0x165: {  	[hbm4b:s29+s3] =	stream.linear.scatter [tilespmem:s28], [sflag:$0x5], $0x80, $0x38;
	[tilespmem:$0x16C00] =	vst v63  }
0x166: {  	s28 =	sadd.s32 $0x14B10, s0;
	s29 =	sadd.s32 $0x20, s26  }
0x167: {  	[hbm4b:s29+s3] =	stream.linear.scatter [tilespmem:s28], [sflag:$0x5], $0x80, $0x38;
	[tilespmem:$0x16C00] =	vst v63  }
0x168: {  	s28 =	sadd.s32 $0x14B98, s0;
	s29 =	sadd.s32 $0x30, s26  }
0x169: {  	[hbm4b:s29+s3] =	stream.linear.scatter [tilespmem:s28], [sflag:$0x5], $0x80, $0x38;
	[tilespmem:$0x16C00] =	vst v63  }
0x16a: {  	s28 =	sadd.s32 $0x14C20, s0;
	s29 =	sadd.s32 $0x40, s26  }
0x16b: {  	[hbm4b:s29+s3] =	stream.linear.scatter [tilespmem:s28], [sflag:$0x5], $0x80, $0x38;
	[tilespmem:$0x16C00] =	vst v63  }
0x16c: {  	s28 =	sadd.s32 $0x14CA8, s0;
	s29 =	sadd.s32 $0x50, s26  }
0x16d: {  	[hbm4b:s29+s3] =	stream.linear.scatter [tilespmem:s28], [sflag:$0x5], $0x80, $0x38;
	[tilespmem:$0x16C00] =	vst v63  }
.Ltmp8:
0x16e: {  	_ = 	snop;
	(pc) =	sbr.rel @!p0 .LBB2_18-.Ltmp8, $4  }
0x16f: {  	s28 =	sadd.s32 $0x14D30, s0;
	s29 =	sadd.s32 $0x60, s26  }
0x170: {  	[hbm4b:s29+s3] =	stream.linear.scatter [tilespmem:s28], [sflag:$0x5], $0x80, $0x38;
	[tilespmem:$0x16C00] =	vst v63  }
0x171: {  	s29 =	sadd.s32 $0x14DB8, s0  }
0x172: {  	s0 =	sadd.s32 $0x70, s26;
	s26 =	sadd.s32 $0x4000, s26;
	s28 =	smov.u32 s1  }
0x173: {  	[hbm4b:s0+s3] =	stream.linear.scatter [tilespmem:s29], [sflag:$0x5], $0x80, $0x38;
	[tilespmem:$0x16C00] =	vst v63  }
0x174: {  	s30 =	sadd.s32 $0x14A00, s24  }
0x175: {  	[hbm4b:s26+s3] =	stream.linear.scatter [tilespmem:s30], [sflag:$0x5], $0x80, $0x38;
	[tilespmem:$0x16C00] =	vst v63  }
0x176: {  	s31 =	sadd.s32 $0x14A88, s24;
	s1 =	sadd.s32 $0x10, s26  }
0x177: {  	[hbm4b:s1+s3] =	stream.linear.scatter [tilespmem:s31], [sflag:$0x5], $0x80, $0x38;
	[tilespmem:$0x16C00] =	vst v63  }
0x178: {  	s28 =	sadd.s32 $0x14B10, s24;
	s29 =	sadd.s32 $0x20, s26  }
0x179: {  	[hbm4b:s29+s3] =	stream.linear.scatter [tilespmem:s28], [sflag:$0x5], $0x80, $0x38;
	[tilespmem:$0x16C00] =	vst v63  }
0x17a: {  	s30 =	sadd.s32 $0x14B98, s24;
	s31 =	sadd.s32 $0x30, s26  }
0x17b: {  	[hbm4b:s31+s3] =	stream.linear.scatter [tilespmem:s30], [sflag:$0x5], $0x80, $0x38;
	[tilespmem:$0x16C00] =	vst v63  }
0x17c: {  	s28 =	sadd.s32 $0x14C20, s24;
	s29 =	sadd.s32 $0x40, s26  }
0x17d: {  	[hbm4b:s29+s3] =	stream.linear.scatter [tilespmem:s28], [sflag:$0x5], $0x80, $0x38;
	[tilespmem:$0x16C00] =	vst v63  }
0x17e: {  	s30 =	sadd.s32 $0x14CA8, s24;
	s31 =	sadd.s32 $0x50, s26  }
0x17f: {  	[hbm4b:s31+s3] =	stream.linear.scatter [tilespmem:s30], [sflag:$0x5], $0x80, $0x38;
	[tilespmem:$0x16C00] =	vst v63  }
0x180: {  	s28 =	sadd.s32 $0x14D30, s24;
	s29 =	sadd.s32 $0x60, s26  }
0x181: {  	[hbm4b:s29+s3] =	stream.linear.scatter [tilespmem:s28], [sflag:$0x5], $0x80, $0x38;
	[tilespmem:$0x16C00] =	vst v63  }
0x182: {  	s30 =	sadd.s32 $0x14DB8, s24;
	s31 =	sadd.s32 $0x70, s26  }
0x183: {  	[hbm4b:s31+s3] =	stream.linear.scatter [tilespmem:s30], [sflag:$0x5], $0x80, $0x38;
	[tilespmem:$0x16C00] =	vst v63  }
0x184: {  	p0 =	seq.s32 s25, $0x32  }
.Ltmp9:
0x185: {  	_ = 	snop;
	(pc) =	sbr.rel @!p0 .LBB2_3-.Ltmp9, $1  }
0x186: {  	_ =	sdelay $0x3  }
0x187: {  	_ =	swait.ge [sflag:s22], $0x2000  }
0x188: {  	[sflag:s22] =	ssyncset.done $0x0  }
0x189: {  	[sflag:s22] =	ssyncadd.s32 $0xFFFFE000  }
0x18a: {  	_ =	swait.ge [sflag:s22], $0x2000  }
0x18b: {  	[sflag:s22] =	ssyncset.done $0x0  }
0x18c: {  	s23 =	sadd.s32 $0x1, s23;
	[sflag:s22] =	ssyncadd.s32 $0xFFFFE000  }
0x18d: {  	p0 =	sne.s32 s23, s10;
	_ =	swait.ge [sflag:s20], $0x2000  }
.Ltmp10:
0x18e: {  	[sflag:s20] =	ssyncset.done $0x0;
	(pc) =	sbr.rel @p0 .LBB2_1-.Ltmp10, $4  }
0x18f: {  	[sflag:s20] =	ssyncadd.s32 $0xFFFFE000  }
0x190: {  	_ =	swait.ge [sflag:s20], $0x2000  }
0x191: {  	[sflag:s20] =	ssyncset.done $0x0  }
0x192: {  	[sflag:s20] =	ssyncadd.s32 $0xFFFFE000  }
0x193: {  	_ =	sfence.sel $0x180000  }
0x194: {  	[bflag:$0x0] =	sbarrier.arrive $0xFFFF  }
0x195: {  	_ =	strace $0x90000047  }
0x196: {  	s0 =	stileid.u32;
	[bflag:$0x2] =	sbarrier.arrive $0xFFFF  }
0x197: {  	p0 =	sne.s32 s0, $0x0;
	s0 =	rddreg [dreg:$0x2]  }
0x198: {  	s0 =	sadd.s32 @!p0 $0x100000, s0  }
0x199: {  	[sflag:s0] =	ssyncadd.tile.s32 @!p0 $0x1;
	_ =	shalt  }
.Lfunc_end2:
_tile_overlayer_lowered:
.L_overlay_start_2:
0x19a: {  	(tag) =	ssettag $0x2  }
0x19b: {  	s0 =	rddreg [dreg:$0x0];
	s2 =	stileid.u32  }
0x19c: {  	s1 =	rddreg [dreg:$0x1];
	p0 =	sne.s32 s2, $0x0  }
0x19d: {  	s3 =	rddreg [dreg:$0x2];
	[bflag:$0x3] =	sbarrier.arrive $0xFFFF;
	s2 =	simm.s32 @!p0 $0x1C06  }
0x19e: {  	[timem:s3], [sflag:s2] =	dma.local @!p0 [hbm:s0], s1  }
0x19f: {  	s0 =	simm.s32 @!p0 $0x6  }
0x1a0: {  	_ =	swait.ge @!p0 [sflag:s0], s1  }
0x1a1: {  	s1 =	ssub.s32 @!p0 $0x0, s1;
	[sflag:s0] =	ssyncset.done @!p0 $0x0  }
0x1a2: {  	[sflag:s0] =	ssyncadd.s32 @!p0 s1  }
0x1a3: {  	[bflag:$0x3] =	sbarrier.arrive $0xFFFF  }
0x1a4: {  	_ =	shalt  }

</sc_bundles>
